<compile_context>
chip_gen: v7x
topology: tpu7x:2x2x1
jax: 0.10.2.dev20260603
libtpu: 0.0.44.dev20260713+nightly
codegen_flags: <defaults>
</compile_context>

<pallas_src>
import functools

import jax
import jax.numpy as jnp
from jax import lax
from jax.experimental import pallas as pl
from jax.experimental.pallas import tpu as pltpu
from jax.experimental.pallas import tpu_sc as plsc

L = 16
NC = 2
NS = 16
NW = NC * NS
KP = 112


def _hazard_body(t_hbm, s_hbm, tab_hbm, llo_hbm, ch_hbm,
                 t_v, s_v, tab_v, lam_t, d_t, o1_v, o2_v,
                 sem_tab, sem_b, sem_o, *, chunk):
    wid = lax.axis_index("s") * NC + lax.axis_index("c")
    base = wid * chunk

    cp_tab = pltpu.async_copy(tab_hbm, tab_v, sem_tab)
    cp_t = pltpu.async_copy(t_hbm.at[pl.ds(base, chunk)], t_v, sem_b)
    cp_s = pltpu.async_copy(s_hbm.at[pl.ds(base, chunk)], s_v, sem_b)
    cp_tab.wait()

    ll_t = tab_v.at[pl.ds(0, KP)]

    lane = lax.iota(jnp.int32, L)
    dn = lax.GatherDimensionNumbers(
        offset_dims=(), collapsed_slice_dims=(0,), start_index_map=(0,))

    def lane_gather(x, idx):
        return lax.gather(x, idx[:, None], dn, slice_sizes=(1,),
                          mode=lax.GatherScatterMode.PROMISE_IN_BOUNDS)

    def table_step(c, carry):
        sl = pl.ds(c * L, L)
        lam = jnp.exp(tab_v[pl.ds(c * L, L)])
        prod = lam * tab_v[pl.ds(2 * KP + c * L, L)]
        incl = prod
        for d in (1, 2, 4, 8):
            shifted = lane_gather(incl, jnp.maximum(lane - d, 0))
            incl = incl + jnp.where(lane >= d, shifted, jnp.float32(0.0))
        lam_t[sl] = lam
        d_t[sl] = (incl - prod) + carry - lam * tab_v[pl.ds(KP + c * L, L)]
        total = lane_gather(incl, jnp.full((L,), L - 1, jnp.int32))
        return carry + total

    lax.fori_loop(0, KP // L, table_step, jnp.zeros((L,), jnp.float32),
                  unroll=True)

    cp_t.wait()
    cp_s.wait()

    @plsc.parallel_loop(0, chunk // L, unroll=4)
    def batch_step(i):
        sl = pl.ds(i * L, L)
        s = s_v[sl]
        tt = t_v[sl]
        o1_v[sl] = plsc.load_gather(ll_t, [s])
        o2_v[sl] = plsc.load_gather(lam_t, [s]) * tt + plsc.load_gather(d_t, [s])

    c1 = pltpu.async_copy(o1_v, llo_hbm.at[pl.ds(base, chunk)], sem_o)
    c2 = pltpu.async_copy(o2_v, ch_hbm.at[pl.ds(base, chunk)], sem_o)
    c1.wait()
    c2.wait()


@jax.jit
def kernel(t, t_section, log_lambda, breakpoints, widths):
    b = t.shape[0]
    k = log_lambda.shape[0]
    chunk = b // NW

    pad = KP - k
    tab = jnp.concatenate([
        jnp.pad(log_lambda[:, 0], (0, pad)),
        jnp.pad(breakpoints, (0, pad)),
        jnp.pad(widths[:, 0], (0, pad)),
    ])
    t_flat = t[:, 0]
    s = t_section.astype(jnp.int32)

    f32 = jnp.float32
    run = pl.kernel(
        functools.partial(_hazard_body, chunk=chunk),
        out_type=(
            jax.ShapeDtypeStruct((b,), f32),
            jax.ShapeDtypeStruct((b,), f32),
        ),
        mesh=plsc.VectorSubcoreMesh(
            core_axis_name="c", subcore_axis_name="s",
            num_cores=NC, num_subcores=NS,
        ),
        compiler_params=pltpu.CompilerParams(needs_layout_passes=False),
        scratch_types=[
            pltpu.VMEM((chunk,), f32),
            pltpu.VMEM((chunk,), jnp.int32),
            pltpu.VMEM((3 * KP,), f32),
            pltpu.VMEM((KP,), f32),
            pltpu.VMEM((KP,), f32),
            pltpu.VMEM((chunk,), f32),
            pltpu.VMEM((chunk,), f32),
            pltpu.SemaphoreType.DMA,
            pltpu.SemaphoreType.DMA,
            pltpu.SemaphoreType.DMA,
        ],
    )
    llo, ch = run(t_flat, s, tab)
    return llo[:, None], ch[:, None]

# --- scband reference (transcript-rebuilt; emitter-appended) ---
"""Pipeline reference for scband-piece-wise-hazard-63084479643784 (READ-ONLY COPY).

The authoritative reference and input builder live on the scoring server;
editing this copy changes nothing except your own understanding.
"""

import jax, jax.numpy as jnp
import numpy as np

BPS = np.arange(10.0, 1001.0, 10.0)  # 100 breakpoints: 10,20,...,1000
MAX_T = 1010.0
N_PIECES = len(BPS) + 1  # 101
BATCH = 16384


def setup_inputs(seed: int = 0) -> dict:
    key = jax.random.key(seed)
    k1, k2, k3 = jax.random.split(key, 3)
    t = jax.random.uniform(k1, (BATCH, 1), dtype=jnp.float32)
    t_section = jax.random.randint(k2, (BATCH,), 0, N_PIECES, dtype=jnp.int64 if jax.config.jax_enable_x64 else jnp.int32)
    # learned parameter: log hazard per piece
    log_lambda = jax.random.normal(k3, (N_PIECES, 1), dtype=jnp.float32)
    # buffers
    breakpoints = jnp.concatenate([jnp.zeros((1,), dtype=jnp.float32), jnp.asarray(BPS, dtype=jnp.float32)])
    bounded = np.concatenate([[0.0], BPS, [MAX_T]])
    widths = jnp.asarray(np.diff(bounded), dtype=jnp.float32)[:, None]
    return {"t": t, "t_section": t_section, "log_lambda": log_lambda,
            "breakpoints": breakpoints, "widths": widths}


def reference(t, t_section, log_lambda, breakpoints, widths):
    lam = jnp.exp(log_lambda)                       # [K, 1]
    cum_hazard = jnp.cumsum(lam * widths, axis=0)   # [K, 1]
    cum_hazard = jnp.concatenate([jnp.zeros((1, 1), dtype=cum_hazard.dtype), cum_hazard], axis=0)  # prepend zero row -> [K+1, 1]
    cum_hazard_sec = cum_hazard[t_section]          # gather -> [B, 1]
    delta_t = t - breakpoints[t_section][:, None]   # gather -> [B, 1]
    ch = cum_hazard_sec + lam[t_section] * delta_t  # [B, 1]
    return (log_lambda[t_section], ch)

if __name__ == "__main__":
    import jax
    _d = setup_inputs()
    print(jax.jit(kernel)(*tuple(_d.values())))

</pallas_src>

<mosaic_0001>
#map = affine_map<(d0, d1) -> (0)>
module attributes {stable_mosaic.version = 14 : i64} {
  func.func @_hazard_body(%arg0: i32, %arg1: i32, %arg2: memref<16384xf32, #tpu.memory_space<hbm>>, %arg3: memref<16384xi32, #tpu.memory_space<hbm>>, %arg4: memref<336xf32, #tpu.memory_space<hbm>>, %arg5: memref<16384xf32, #tpu.memory_space<hbm>>, %arg6: memref<16384xf32, #tpu.memory_space<hbm>>, %arg7: memref<512xf32, #tpu.memory_space<vmem>>, %arg8: memref<512xi32, #tpu.memory_space<vmem>>, %arg9: memref<336xf32, #tpu.memory_space<vmem>>, %arg10: memref<112xf32, #tpu.memory_space<vmem>>, %arg11: memref<112xf32, #tpu.memory_space<vmem>>, %arg12: memref<512xf32, #tpu.memory_space<vmem>>, %arg13: memref<512xf32, #tpu.memory_space<vmem>>, %arg14: memref<!tpu.dma_semaphore, #tpu.memory_space<semaphore_mem>>, %arg15: memref<!tpu.dma_semaphore, #tpu.memory_space<semaphore_mem>>, %arg16: memref<!tpu.dma_semaphore, #tpu.memory_space<semaphore_mem>>) attributes {dimension_semantics = [#tpu.dimension_semantics<core_parallel>, #tpu.dimension_semantics<subcore_parallel>], iteration_bounds = array<i64: 2, 16>, scalar_prefetch = 0 : i64, scratch_operands = 10 : i64, tpu.core_type = #tpu.core_type<sc_vector_subcore>, window_params = [{transform_indices = #map}, {transform_indices = #map}, {transform_indices = #map}, {transform_indices = #map}, {transform_indices = #map}]} {
    %mul3A = arith.constant 2 : i32
    %mul3A_0 = arith.muli %arg1, %mul3A : i32
    %add3A = arith.addi %mul3A_0, %arg0 : i32
    %mul3A_1 = arith.constant 512 : i32
    %mul3A_2 = arith.muli %add3A, %mul3A_1 : i32
    tpu.enqueue_dma source(%arg4 : memref<336xf32, #tpu.memory_space<hbm>>) target(%arg9 : memref<336xf32, #tpu.memory_space<vmem>>) target_semaphore(%arg14 : memref<!tpu.dma_semaphore, #tpu.memory_space<semaphore_mem>>)
    %dma_start3A = tpu.memref_slice %arg2[%mul3A_2] : memref<16384xf32, #tpu.memory_space<hbm>> -> memref<512xf32, #tpu.memory_space<hbm>>
    %dma_start3A_3 = tpu.memref_slice %arg2[%mul3A_2] : memref<16384xf32, #tpu.memory_space<hbm>> -> memref<512xf32, #tpu.memory_space<hbm>>
    tpu.enqueue_dma source(%dma_start3A_3 : memref<512xf32, #tpu.memory_space<hbm>>) target(%arg7 : memref<512xf32, #tpu.memory_space<vmem>>) target_semaphore(%arg15 : memref<!tpu.dma_semaphore, #tpu.memory_space<semaphore_mem>>)
    %dma_start3A_4 = tpu.memref_slice %arg3[%mul3A_2] : memref<16384xi32, #tpu.memory_space<hbm>> -> memref<512xi32, #tpu.memory_space<hbm>>
    %dma_start3A_5 = tpu.memref_slice %arg3[%mul3A_2] : memref<16384xi32, #tpu.memory_space<hbm>> -> memref<512xi32, #tpu.memory_space<hbm>>
    tpu.enqueue_dma source(%dma_start3A_5 : memref<512xi32, #tpu.memory_space<hbm>>) target(%arg8 : memref<512xi32, #tpu.memory_space<vmem>>) target_semaphore(%arg15 : memref<!tpu.dma_semaphore, #tpu.memory_space<semaphore_mem>>)
    tpu.wait_dma2 semaphore(%arg14 : memref<!tpu.dma_semaphore, #tpu.memory_space<semaphore_mem>>) src(%arg4 : memref<336xf32, #tpu.memory_space<hbm>>) dst(%arg9 : memref<336xf32, #tpu.memory_space<vmem>>)
    %iota3A = tpu.iota {dimensions = array<i32: 0>} : vector<16xi32>
    %broadcast_in_dim3A = arith.constant 0.000000e+00 : f32
    %broadcast_in_dim3A_6 = vector.broadcast %broadcast_in_dim3A : f32 to vector<16xf32>
    %scan3A = arith.constant 0 : i32
    %mul3A_7 = arith.constant 16 : i32
    %mul3A_8 = arith.muli %scan3A, %mul3A_7 : i32
    %mul3A_9 = arith.constant 16 : i32
    %mul3A_10 = arith.muli %scan3A, %mul3A_9 : i32
    %get3A = arith.index_cast %mul3A_10 : i32 to index
    %get3A_11 = tpu.vector_load %arg9[%get3A] {strides = array<i32>} : memref<336xf32, #tpu.memory_space<vmem>>, vector<16xf32>,
    %exp3A = math.exp %get3A_11 : vector<16xf32>
    %mul3A_12 = arith.constant 16 : i32
    %mul3A_13 = arith.muli %scan3A, %mul3A_12 : i32
    %add3A_14 = arith.constant 224 : i32
    %add3A_15 = arith.addi %add3A_14, %mul3A_13 : i32
    %get3A_16 = arith.index_cast %add3A_15 : i32 to index
    %get3A_17 = tpu.vector_load %arg9[%get3A_16] {strides = array<i32>} : memref<336xf32, #tpu.memory_space<vmem>>, vector<16xf32>,
    %mul3A_18 = arith.mulf %exp3A, %get3A_17 : vector<16xf32>
    %sub3A = arith.constant 1 : i32
    %sub3A_19 = vector.broadcast %sub3A : i32 to vector<16xi32>
    %sub3A_20 = arith.subi %iota3A, %sub3A_19 : vector<16xi32>
    %max3A = arith.constant 0 : i32
    %max3A_21 = vector.broadcast %max3A : i32 to vector<16xi32>
    %max3A_22 = arith.maxsi %sub3A_20, %max3A_21 : vector<16xi32>
    %broadcast_in_dim3A_23 = vector.shape_cast %max3A_22 : vector<16xi32> to vector<16x1xi32>
    %gather3A = vector.shape_cast %broadcast_in_dim3A_23 : vector<16x1xi32> to vector<16xi32>
    %gather3A_24 = tpu.dynamic_gather %mul3A_18[%gather3A] in [0] : vector<16xf32>, vector<16xi32> -> vector<16xf32>
    %ge3A = arith.constant 1 : i32
    %ge3A_25 = vector.broadcast %ge3A : i32 to vector<16xi32>
    %ge3A_26 = arith.cmpi sge, %iota3A, %ge3A_25 : vector<16xi32>
    %jit3A = arith.constant 0.000000e+00 : f32
    %broadcast_in_dim3A_27 = vector.broadcast %jit3A : f32 to vector<16xf32>
    %select_n3A = arith.select %ge3A_26, %gather3A_24, %broadcast_in_dim3A_27 : vector<16xi1>, vector<16xf32>
    %add3A_28 = arith.addf %mul3A_18, %select_n3A : vector<16xf32>
    %sub3A_29 = arith.constant 2 : i32
    %sub3A_30 = vector.broadcast %sub3A_29 : i32 to vector<16xi32>
    %sub3A_31 = arith.subi %iota3A, %sub3A_30 : vector<16xi32>
    %max3A_32 = arith.constant 0 : i32
    %max3A_33 = vector.broadcast %max3A_32 : i32 to vector<16xi32>
    %max3A_34 = arith.maxsi %sub3A_31, %max3A_33 : vector<16xi32>
    %broadcast_in_dim3A_35 = vector.shape_cast %max3A_34 : vector<16xi32> to vector<16x1xi32>
    %gather3A_36 = vector.shape_cast %broadcast_in_dim3A_35 : vector<16x1xi32> to vector<16xi32>
    %gather3A_37 = tpu.dynamic_gather %add3A_28[%gather3A_36] in [0] : vector<16xf32>, vector<16xi32> -> vector<16xf32>
    %ge3A_38 = arith.constant 2 : i32
    %ge3A_39 = vector.broadcast %ge3A_38 : i32 to vector<16xi32>
    %ge3A_40 = arith.cmpi sge, %iota3A, %ge3A_39 : vector<16xi32>
    %jit3A_41 = arith.constant 0.000000e+00 : f32
    %broadcast_in_dim3A_42 = vector.broadcast %jit3A_41 : f32 to vector<16xf32>
    %select_n3A_43 = arith.select %ge3A_40, %gather3A_37, %broadcast_in_dim3A_42 : vector<16xi1>, vector<16xf32>
    %add3A_44 = arith.addf %add3A_28, %select_n3A_43 : vector<16xf32>
    %sub3A_45 = arith.constant 4 : i32
    %sub3A_46 = vector.broadcast %sub3A_45 : i32 to vector<16xi32>
    %sub3A_47 = arith.subi %iota3A, %sub3A_46 : vector<16xi32>
    %max3A_48 = arith.constant 0 : i32
    %max3A_49 = vector.broadcast %max3A_48 : i32 to vector<16xi32>
    %max3A_50 = arith.maxsi %sub3A_47, %max3A_49 : vector<16xi32>
    %broadcast_in_dim3A_51 = vector.shape_cast %max3A_50 : vector<16xi32> to vector<16x1xi32>
    %gather3A_52 = vector.shape_cast %broadcast_in_dim3A_51 : vector<16x1xi32> to vector<16xi32>
    %gather3A_53 = tpu.dynamic_gather %add3A_44[%gather3A_52] in [0] : vector<16xf32>, vector<16xi32> -> vector<16xf32>
    %ge3A_54 = arith.constant 4 : i32
    %ge3A_55 = vector.broadcast %ge3A_54 : i32 to vector<16xi32>
    %ge3A_56 = arith.cmpi sge, %iota3A, %ge3A_55 : vector<16xi32>
    %jit3A_57 = arith.constant 0.000000e+00 : f32
    %broadcast_in_dim3A_58 = vector.broadcast %jit3A_57 : f32 to vector<16xf32>
    %select_n3A_59 = arith.select %ge3A_56, %gather3A_53, %broadcast_in_dim3A_58 : vector<16xi1>, vector<16xf32>
    %add3A_60 = arith.addf %add3A_44, %select_n3A_59 : vector<16xf32>
    %sub3A_61 = arith.constant 8 : i32
    %sub3A_62 = vector.broadcast %sub3A_61 : i32 to vector<16xi32>
    %sub3A_63 = arith.subi %iota3A, %sub3A_62 : vector<16xi32>
    %max3A_64 = arith.constant 0 : i32
    %max3A_65 = vector.broadcast %max3A_64 : i32 to vector<16xi32>
    %max3A_66 = arith.maxsi %sub3A_63, %max3A_65 : vector<16xi32>
    %broadcast_in_dim3A_67 = vector.shape_cast %max3A_66 : vector<16xi32> to vector<16x1xi32>
    %gather3A_68 = vector.shape_cast %broadcast_in_dim3A_67 : vector<16x1xi32> to vector<16xi32>
    %gather3A_69 = tpu.dynamic_gather %add3A_60[%gather3A_68] in [0] : vector<16xf32>, vector<16xi32> -> vector<16xf32>
    %ge3A_70 = arith.constant 8 : i32
    %ge3A_71 = vector.broadcast %ge3A_70 : i32 to vector<16xi32>
    %ge3A_72 = arith.cmpi sge, %iota3A, %ge3A_71 : vector<16xi32>
    %jit3A_73 = arith.constant 0.000000e+00 : f32
    %broadcast_in_dim3A_74 = vector.broadcast %jit3A_73 : f32 to vector<16xf32>
    %select_n3A_75 = arith.select %ge3A_72, %gather3A_69, %broadcast_in_dim3A_74 : vector<16xi1>, vector<16xf32>
    %add3A_76 = arith.addf %add3A_60, %select_n3A_75 : vector<16xf32>
    %swap3A = arith.index_cast %mul3A_8 : i32 to index
    %swap3A_77 = tpu.vector_load %arg10[%swap3A] {strides = array<i32>} : memref<112xf32, #tpu.memory_space<vmem>>, vector<16xf32>,
    tpu.vector_store %arg10[%swap3A], %exp3A {strides = array<i32>} : memref<112xf32, #tpu.memory_space<vmem>>, vector<16xf32>,
    %sub3A_78 = arith.subf %add3A_76, %mul3A_18 : vector<16xf32>
    %add3A_79 = arith.addf %sub3A_78, %broadcast_in_dim3A_6 : vector<16xf32>
    %mul3A_80 = arith.constant 16 : i32
    %mul3A_81 = arith.muli %scan3A, %mul3A_80 : i32
    %add3A_82 = arith.constant 112 : i32
    %add3A_83 = arith.addi %add3A_82, %mul3A_81 : i32
    %get3A_84 = arith.index_cast %add3A_83 : i32 to index
    %get3A_85 = tpu.vector_load %arg9[%get3A_84] {strides = array<i32>} : memref<336xf32, #tpu.memory_space<vmem>>, vector<16xf32>,
    %mul3A_86 = arith.mulf %exp3A, %get3A_85 : vector<16xf32>
    %sub3A_87 = arith.subf %add3A_79, %mul3A_86 : vector<16xf32>
    %swap3A_88 = arith.index_cast %mul3A_8 : i32 to index
    %swap3A_89 = tpu.vector_load %arg11[%swap3A_88] {strides = array<i32>} : memref<112xf32, #tpu.memory_space<vmem>>, vector<16xf32>,
    tpu.vector_store %arg11[%swap3A_88], %sub3A_87 {strides = array<i32>} : memref<112xf32, #tpu.memory_space<vmem>>, vector<16xf32>,
    %broadcast_in_dim3A_90 = arith.constant 15 : i32
    %broadcast_in_dim3A_91 = vector.broadcast %broadcast_in_dim3A_90 : i32 to vector<16xi32>
    %broadcast_in_dim3A_92 = vector.shape_cast %broadcast_in_dim3A_91 : vector<16xi32> to vector<16x1xi32>
    %gather3A_93 = vector.shape_cast %broadcast_in_dim3A_92 : vector<16x1xi32> to vector<16xi32>
    %gather3A_94 = tpu.dynamic_gather %add3A_76[%gather3A_93] in [0] : vector<16xf32>, vector<16xi32> -> vector<16xf32>
    %add3A_95 = arith.addf %broadcast_in_dim3A_6, %gather3A_94 : vector<16xf32>
    %scan3A_96 = arith.constant 1 : i32
    %mul3A_97 = arith.constant 16 : i32
    %mul3A_98 = arith.muli %scan3A_96, %mul3A_97 : i32
    %mul3A_99 = arith.constant 16 : i32
    %mul3A_100 = arith.muli %scan3A_96, %mul3A_99 : i32
    %get3A_101 = arith.index_cast %mul3A_100 : i32 to index
    %get3A_102 = tpu.vector_load %arg9[%get3A_101] {strides = array<i32>} : memref<336xf32, #tpu.memory_space<vmem>>, vector<16xf32>,
    %exp3A_103 = math.exp %get3A_102 : vector<16xf32>
    %mul3A_104 = arith.constant 16 : i32
    %mul3A_105 = arith.muli %scan3A_96, %mul3A_104 : i32
    %add3A_106 = arith.constant 224 : i32
    %add3A_107 = arith.addi %add3A_106, %mul3A_105 : i32
    %get3A_108 = arith.index_cast %add3A_107 : i32 to index
    %get3A_109 = tpu.vector_load %arg9[%get3A_108] {strides = array<i32>} : memref<336xf32, #tpu.memory_space<vmem>>, vector<16xf32>,
    %mul3A_110 = arith.mulf %exp3A_103, %get3A_109 : vector<16xf32>
    %sub3A_111 = arith.constant 1 : i32
    %sub3A_112 = vector.broadcast %sub3A_111 : i32 to vector<16xi32>
    %sub3A_113 = arith.subi %iota3A, %sub3A_112 : vector<16xi32>
    %max3A_114 = arith.constant 0 : i32
    %max3A_115 = vector.broadcast %max3A_114 : i32 to vector<16xi32>
    %max3A_116 = arith.maxsi %sub3A_113, %max3A_115 : vector<16xi32>
    %broadcast_in_dim3A_117 = vector.shape_cast %max3A_116 : vector<16xi32> to vector<16x1xi32>
    %gather3A_118 = vector.shape_cast %broadcast_in_dim3A_117 : vector<16x1xi32> to vector<16xi32>
    %gather3A_119 = tpu.dynamic_gather %mul3A_110[%gather3A_118] in [0] : vector<16xf32>, vector<16xi32> -> vector<16xf32>
    %ge3A_120 = arith.constant 1 : i32
    %ge3A_121 = vector.broadcast %ge3A_120 : i32 to vector<16xi32>
    %ge3A_122 = arith.cmpi sge, %iota3A, %ge3A_121 : vector<16xi32>
    %jit3A_123 = arith.constant 0.000000e+00 : f32
    %broadcast_in_dim3A_124 = vector.broadcast %jit3A_123 : f32 to vector<16xf32>
    %select_n3A_125 = arith.select %ge3A_122, %gather3A_119, %broadcast_in_dim3A_124 : vector<16xi1>, vector<16xf32>
    %add3A_126 = arith.addf %mul3A_110, %select_n3A_125 : vector<16xf32>
    %sub3A_127 = arith.constant 2 : i32
    %sub3A_128 = vector.broadcast %sub3A_127 : i32 to vector<16xi32>
    %sub3A_129 = arith.subi %iota3A, %sub3A_128 : vector<16xi32>
    %max3A_130 = arith.constant 0 : i32
    %max3A_131 = vector.broadcast %max3A_130 : i32 to vector<16xi32>
    %max3A_132 = arith.maxsi %sub3A_129, %max3A_131 : vector<16xi32>
    %broadcast_in_dim3A_133 = vector.shape_cast %max3A_132 : vector<16xi32> to vector<16x1xi32>
    %gather3A_134 = vector.shape_cast %broadcast_in_dim3A_133 : vector<16x1xi32> to vector<16xi32>
    %gather3A_135 = tpu.dynamic_gather %add3A_126[%gather3A_134] in [0] : vector<16xf32>, vector<16xi32> -> vector<16xf32>
    %ge3A_136 = arith.constant 2 : i32
    %ge3A_137 = vector.broadcast %ge3A_136 : i32 to vector<16xi32>
    %ge3A_138 = arith.cmpi sge, %iota3A, %ge3A_137 : vector<16xi32>
    %jit3A_139 = arith.constant 0.000000e+00 : f32
    %broadcast_in_dim3A_140 = vector.broadcast %jit3A_139 : f32 to vector<16xf32>
    %select_n3A_141 = arith.select %ge3A_138, %gather3A_135, %broadcast_in_dim3A_140 : vector<16xi1>, vector<16xf32>
    %add3A_142 = arith.addf %add3A_126, %select_n3A_141 : vector<16xf32>
    %sub3A_143 = arith.constant 4 : i32
    %sub3A_144 = vector.broadcast %sub3A_143 : i32 to vector<16xi32>
    %sub3A_145 = arith.subi %iota3A, %sub3A_144 : vector<16xi32>
    %max3A_146 = arith.constant 0 : i32
    %max3A_147 = vector.broadcast %max3A_146 : i32 to vector<16xi32>
    %max3A_148 = arith.maxsi %sub3A_145, %max3A_147 : vector<16xi32>
    %broadcast_in_dim3A_149 = vector.shape_cast %max3A_148 : vector<16xi32> to vector<16x1xi32>
    %gather3A_150 = vector.shape_cast %broadcast_in_dim3A_149 : vector<16x1xi32> to vector<16xi32>
    %gather3A_151 = tpu.dynamic_gather %add3A_142[%gather3A_150] in [0] : vector<16xf32>, vector<16xi32> -> vector<16xf32>
    %ge3A_152 = arith.constant 4 : i32
    %ge3A_153 = vector.broadcast %ge3A_152 : i32 to vector<16xi32>
    %ge3A_154 = arith.cmpi sge, %iota3A, %ge3A_153 : vector<16xi32>
    %jit3A_155 = arith.constant 0.000000e+00 : f32
    %broadcast_in_dim3A_156 = vector.broadcast %jit3A_155 : f32 to vector<16xf32>
    %select_n3A_157 = arith.select %ge3A_154, %gather3A_151, %broadcast_in_dim3A_156 : vector<16xi1>, vector<16xf32>
    %add3A_158 = arith.addf %add3A_142, %select_n3A_157 : vector<16xf32>
    %sub3A_159 = arith.constant 8 : i32
    %sub3A_160 = vector.broadcast %sub3A_159 : i32 to vector<16xi32>
    %sub3A_161 = arith.subi %iota3A, %sub3A_160 : vector<16xi32>
    %max3A_162 = arith.constant 0 : i32
    %max3A_163 = vector.broadcast %max3A_162 : i32 to vector<16xi32>
    %max3A_164 = arith.maxsi %sub3A_161, %max3A_163 : vector<16xi32>
    %broadcast_in_dim3A_165 = vector.shape_cast %max3A_164 : vector<16xi32> to vector<16x1xi32>
    %gather3A_166 = vector.shape_cast %broadcast_in_dim3A_165 : vector<16x1xi32> to vector<16xi32>
    %gather3A_167 = tpu.dynamic_gather %add3A_158[%gather3A_166] in [0] : vector<16xf32>, vector<16xi32> -> vector<16xf32>
    %ge3A_168 = arith.constant 8 : i32
    %ge3A_169 = vector.broadcast %ge3A_168 : i32 to vector<16xi32>
    %ge3A_170 = arith.cmpi sge, %iota3A, %ge3A_169 : vector<16xi32>
    %jit3A_171 = arith.constant 0.000000e+00 : f32
    %broadcast_in_dim3A_172 = vector.broadcast %jit3A_171 : f32 to vector<16xf32>
    %select_n3A_173 = arith.select %ge3A_170, %gather3A_167, %broadcast_in_dim3A_172 : vector<16xi1>, vector<16xf32>
    %add3A_174 = arith.addf %add3A_158, %select_n3A_173 : vector<16xf32>
    %swap3A_175 = arith.index_cast %mul3A_98 : i32 to index
    %swap3A_176 = tpu.vector_load %arg10[%swap3A_175] {strides = array<i32>} : memref<112xf32, #tpu.memory_space<vmem>>, vector<16xf32>,
    tpu.vector_store %arg10[%swap3A_175], %exp3A_103 {strides = array<i32>} : memref<112xf32, #tpu.memory_space<vmem>>, vector<16xf32>,
    %sub3A_177 = arith.subf %add3A_174, %mul3A_110 : vector<16xf32>
    %add3A_178 = arith.addf %sub3A_177, %add3A_95 : vector<16xf32>
    %mul3A_179 = arith.constant 16 : i32
    %mul3A_180 = arith.muli %scan3A_96, %mul3A_179 : i32
    %add3A_181 = arith.constant 112 : i32
    %add3A_182 = arith.addi %add3A_181, %mul3A_180 : i32
    %get3A_183 = arith.index_cast %add3A_182 : i32 to index
    %get3A_184 = tpu.vector_load %arg9[%get3A_183] {strides = array<i32>} : memref<336xf32, #tpu.memory_space<vmem>>, vector<16xf32>,
    %mul3A_185 = arith.mulf %exp3A_103, %get3A_184 : vector<16xf32>
    %sub3A_186 = arith.subf %add3A_178, %mul3A_185 : vector<16xf32>
    %swap3A_187 = arith.index_cast %mul3A_98 : i32 to index
    %swap3A_188 = tpu.vector_load %arg11[%swap3A_187] {strides = array<i32>} : memref<112xf32, #tpu.memory_space<vmem>>, vector<16xf32>,
    tpu.vector_store %arg11[%swap3A_187], %sub3A_186 {strides = array<i32>} : memref<112xf32, #tpu.memory_space<vmem>>, vector<16xf32>,
    %broadcast_in_dim3A_189 = arith.constant 15 : i32
    %broadcast_in_dim3A_190 = vector.broadcast %broadcast_in_dim3A_189 : i32 to vector<16xi32>
    %broadcast_in_dim3A_191 = vector.shape_cast %broadcast_in_dim3A_190 : vector<16xi32> to vector<16x1xi32>
    %gather3A_192 = vector.shape_cast %broadcast_in_dim3A_191 : vector<16x1xi32> to vector<16xi32>
    %gather3A_193 = tpu.dynamic_gather %add3A_174[%gather3A_192] in [0] : vector<16xf32>, vector<16xi32> -> vector<16xf32>
    %add3A_194 = arith.addf %add3A_95, %gather3A_193 : vector<16xf32>
    %scan3A_195 = arith.constant 2 : i32
    %mul3A_196 = arith.constant 16 : i32
    %mul3A_197 = arith.muli %scan3A_195, %mul3A_196 : i32
    %mul3A_198 = arith.constant 16 : i32
    %mul3A_199 = arith.muli %scan3A_195, %mul3A_198 : i32
    %get3A_200 = arith.index_cast %mul3A_199 : i32 to index
    %get3A_201 = tpu.vector_load %arg9[%get3A_200] {strides = array<i32>} : memref<336xf32, #tpu.memory_space<vmem>>, vector<16xf32>,
    %exp3A_202 = math.exp %get3A_201 : vector<16xf32>
    %mul3A_203 = arith.constant 16 : i32
    %mul3A_204 = arith.muli %scan3A_195, %mul3A_203 : i32
    %add3A_205 = arith.constant 224 : i32
    %add3A_206 = arith.addi %add3A_205, %mul3A_204 : i32
    %get3A_207 = arith.index_cast %add3A_206 : i32 to index
    %get3A_208 = tpu.vector_load %arg9[%get3A_207] {strides = array<i32>} : memref<336xf32, #tpu.memory_space<vmem>>, vector<16xf32>,
    %mul3A_209 = arith.mulf %exp3A_202, %get3A_208 : vector<16xf32>
    %sub3A_210 = arith.constant 1 : i32
    %sub3A_211 = vector.broadcast %sub3A_210 : i32 to vector<16xi32>
    %sub3A_212 = arith.subi %iota3A, %sub3A_211 : vector<16xi32>
    %max3A_213 = arith.constant 0 : i32
    %max3A_214 = vector.broadcast %max3A_213 : i32 to vector<16xi32>
    %max3A_215 = arith.maxsi %sub3A_212, %max3A_214 : vector<16xi32>
    %broadcast_in_dim3A_216 = vector.shape_cast %max3A_215 : vector<16xi32> to vector<16x1xi32>
    %gather3A_217 = vector.shape_cast %broadcast_in_dim3A_216 : vector<16x1xi32> to vector<16xi32>
    %gather3A_218 = tpu.dynamic_gather %mul3A_209[%gather3A_217] in [0] : vector<16xf32>, vector<16xi32> -> vector<16xf32>
    %ge3A_219 = arith.constant 1 : i32
    %ge3A_220 = vector.broadcast %ge3A_219 : i32 to vector<16xi32>
    %ge3A_221 = arith.cmpi sge, %iota3A, %ge3A_220 : vector<16xi32>
    %jit3A_222 = arith.constant 0.000000e+00 : f32
    %broadcast_in_dim3A_223 = vector.broadcast %jit3A_222 : f32 to vector<16xf32>
    %select_n3A_224 = arith.select %ge3A_221, %gather3A_218, %broadcast_in_dim3A_223 : vector<16xi1>, vector<16xf32>
    %add3A_225 = arith.addf %mul3A_209, %select_n3A_224 : vector<16xf32>
    %sub3A_226 = arith.constant 2 : i32
    %sub3A_227 = vector.broadcast %sub3A_226 : i32 to vector<16xi32>
    %sub3A_228 = arith.subi %iota3A, %sub3A_227 : vector<16xi32>
    %max3A_229 = arith.constant 0 : i32
    %max3A_230 = vector.broadcast %max3A_229 : i32 to vector<16xi32>
    %max3A_231 = arith.maxsi %sub3A_228, %max3A_230 : vector<16xi32>
    %broadcast_in_dim3A_232 = vector.shape_cast %max3A_231 : vector<16xi32> to vector<16x1xi32>
    %gather3A_233 = vector.shape_cast %broadcast_in_dim3A_232 : vector<16x1xi32> to vector<16xi32>
    %gather3A_234 = tpu.dynamic_gather %add3A_225[%gather3A_233] in [0] : vector<16xf32>, vector<16xi32> -> vector<16xf32>
    %ge3A_235 = arith.constant 2 : i32
    %ge3A_236 = vector.broadcast %ge3A_235 : i32 to vector<16xi32>
    %ge3A_237 = arith.cmpi sge, %iota3A, %ge3A_236 : vector<16xi32>
    %jit3A_238 = arith.constant 0.000000e+00 : f32
    %broadcast_in_dim3A_239 = vector.broadcast %jit3A_238 : f32 to vector<16xf32>
    %select_n3A_240 = arith.select %ge3A_237, %gather3A_234, %broadcast_in_dim3A_239 : vector<16xi1>, vector<16xf32>
    %add3A_241 = arith.addf %add3A_225, %select_n3A_240 : vector<16xf32>
    %sub3A_242 = arith.constant 4 : i32
    %sub3A_243 = vector.broadcast %sub3A_242 : i32 to vector<16xi32>
    %sub3A_244 = arith.subi %iota3A, %sub3A_243 : vector<16xi32>
    %max3A_245 = arith.constant 0 : i32
    %max3A_246 = vector.broadcast %max3A_245 : i32 to vector<16xi32>
    %max3A_247 = arith.maxsi %sub3A_244, %max3A_246 : vector<16xi32>
    %broadcast_in_dim3A_248 = vector.shape_cast %max3A_247 : vector<16xi32> to vector<16x1xi32>
    %gather3A_249 = vector.shape_cast %broadcast_in_dim3A_248 : vector<16x1xi32> to vector<16xi32>
    %gather3A_250 = tpu.dynamic_gather %add3A_241[%gather3A_249] in [0] : vector<16xf32>, vector<16xi32> -> vector<16xf32>
    %ge3A_251 = arith.constant 4 : i32
    %ge3A_252 = vector.broadcast %ge3A_251 : i32 to vector<16xi32>
    %ge3A_253 = arith.cmpi sge, %iota3A, %ge3A_252 : vector<16xi32>
    %jit3A_254 = arith.constant 0.000000e+00 : f32
    %broadcast_in_dim3A_255 = vector.broadcast %jit3A_254 : f32 to vector<16xf32>
    %select_n3A_256 = arith.select %ge3A_253, %gather3A_250, %broadcast_in_dim3A_255 : vector<16xi1>, vector<16xf32>
    %add3A_257 = arith.addf %add3A_241, %select_n3A_256 : vector<16xf32>
    %sub3A_258 = arith.constant 8 : i32
    %sub3A_259 = vector.broadcast %sub3A_258 : i32 to vector<16xi32>
    %sub3A_260 = arith.subi %iota3A, %sub3A_259 : vector<16xi32>
    %max3A_261 = arith.constant 0 : i32
    %max3A_262 = vector.broadcast %max3A_261 : i32 to vector<16xi32>
    %max3A_263 = arith.maxsi %sub3A_260, %max3A_262 : vector<16xi32>
    %broadcast_in_dim3A_264 = vector.shape_cast %max3A_263 : vector<16xi32> to vector<16x1xi32>
    %gather3A_265 = vector.shape_cast %broadcast_in_dim3A_264 : vector<16x1xi32> to vector<16xi32>
    %gather3A_266 = tpu.dynamic_gather %add3A_257[%gather3A_265] in [0] : vector<16xf32>, vector<16xi32> -> vector<16xf32>
    %ge3A_267 = arith.constant 8 : i32
    %ge3A_268 = vector.broadcast %ge3A_267 : i32 to vector<16xi32>
    %ge3A_269 = arith.cmpi sge, %iota3A, %ge3A_268 : vector<16xi32>
    %jit3A_270 = arith.constant 0.000000e+00 : f32
    %broadcast_in_dim3A_271 = vector.broadcast %jit3A_270 : f32 to vector<16xf32>
    %select_n3A_272 = arith.select %ge3A_269, %gather3A_266, %broadcast_in_dim3A_271 : vector<16xi1>, vector<16xf32>
    %add3A_273 = arith.addf %add3A_257, %select_n3A_272 : vector<16xf32>
    %swap3A_274 = arith.index_cast %mul3A_197 : i32 to index
    %swap3A_275 = tpu.vector_load %arg10[%swap3A_274] {strides = array<i32>} : memref<112xf32, #tpu.memory_space<vmem>>, vector<16xf32>,
    tpu.vector_store %arg10[%swap3A_274], %exp3A_202 {strides = array<i32>} : memref<112xf32, #tpu.memory_space<vmem>>, vector<16xf32>,
    %sub3A_276 = arith.subf %add3A_273, %mul3A_209 : vector<16xf32>
    %add3A_277 = arith.addf %sub3A_276, %add3A_194 : vector<16xf32>
    %mul3A_278 = arith.constant 16 : i32
    %mul3A_279 = arith.muli %scan3A_195, %mul3A_278 : i32
    %add3A_280 = arith.constant 112 : i32
    %add3A_281 = arith.addi %add3A_280, %mul3A_279 : i32
    %get3A_282 = arith.index_cast %add3A_281 : i32 to index
    %get3A_283 = tpu.vector_load %arg9[%get3A_282] {strides = array<i32>} : memref<336xf32, #tpu.memory_space<vmem>>, vector<16xf32>,
    %mul3A_284 = arith.mulf %exp3A_202, %get3A_283 : vector<16xf32>
    %sub3A_285 = arith.subf %add3A_277, %mul3A_284 : vector<16xf32>
    %swap3A_286 = arith.index_cast %mul3A_197 : i32 to index
    %swap3A_287 = tpu.vector_load %arg11[%swap3A_286] {strides = array<i32>} : memref<112xf32, #tpu.memory_space<vmem>>, vector<16xf32>,
    tpu.vector_store %arg11[%swap3A_286], %sub3A_285 {strides = array<i32>} : memref<112xf32, #tpu.memory_space<vmem>>, vector<16xf32>,
    %broadcast_in_dim3A_288 = arith.constant 15 : i32
    %broadcast_in_dim3A_289 = vector.broadcast %broadcast_in_dim3A_288 : i32 to vector<16xi32>
    %broadcast_in_dim3A_290 = vector.shape_cast %broadcast_in_dim3A_289 : vector<16xi32> to vector<16x1xi32>
    %gather3A_291 = vector.shape_cast %broadcast_in_dim3A_290 : vector<16x1xi32> to vector<16xi32>
    %gather3A_292 = tpu.dynamic_gather %add3A_273[%gather3A_291] in [0] : vector<16xf32>, vector<16xi32> -> vector<16xf32>
    %add3A_293 = arith.addf %add3A_194, %gather3A_292 : vector<16xf32>
    %scan3A_294 = arith.constant 3 : i32
    %mul3A_295 = arith.constant 16 : i32
    %mul3A_296 = arith.muli %scan3A_294, %mul3A_295 : i32
    %mul3A_297 = arith.constant 16 : i32
    %mul3A_298 = arith.muli %scan3A_294, %mul3A_297 : i32
    %get3A_299 = arith.index_cast %mul3A_298 : i32 to index
    %get3A_300 = tpu.vector_load %arg9[%get3A_299] {strides = array<i32>} : memref<336xf32, #tpu.memory_space<vmem>>, vector<16xf32>,
    %exp3A_301 = math.exp %get3A_300 : vector<16xf32>
    %mul3A_302 = arith.constant 16 : i32
    %mul3A_303 = arith.muli %scan3A_294, %mul3A_302 : i32
    %add3A_304 = arith.constant 224 : i32
    %add3A_305 = arith.addi %add3A_304, %mul3A_303 : i32
    %get3A_306 = arith.index_cast %add3A_305 : i32 to index
    %get3A_307 = tpu.vector_load %arg9[%get3A_306] {strides = array<i32>} : memref<336xf32, #tpu.memory_space<vmem>>, vector<16xf32>,
    %mul3A_308 = arith.mulf %exp3A_301, %get3A_307 : vector<16xf32>
    %sub3A_309 = arith.constant 1 : i32
    %sub3A_310 = vector.broadcast %sub3A_309 : i32 to vector<16xi32>
    %sub3A_311 = arith.subi %iota3A, %sub3A_310 : vector<16xi32>
    %max3A_312 = arith.constant 0 : i32
    %max3A_313 = vector.broadcast %max3A_312 : i32 to vector<16xi32>
    %max3A_314 = arith.maxsi %sub3A_311, %max3A_313 : vector<16xi32>
    %broadcast_in_dim3A_315 = vector.shape_cast %max3A_314 : vector<16xi32> to vector<16x1xi32>
    %gather3A_316 = vector.shape_cast %broadcast_in_dim3A_315 : vector<16x1xi32> to vector<16xi32>
    %gather3A_317 = tpu.dynamic_gather %mul3A_308[%gather3A_316] in [0] : vector<16xf32>, vector<16xi32> -> vector<16xf32>
    %ge3A_318 = arith.constant 1 : i32
    %ge3A_319 = vector.broadcast %ge3A_318 : i32 to vector<16xi32>
    %ge3A_320 = arith.cmpi sge, %iota3A, %ge3A_319 : vector<16xi32>
    %jit3A_321 = arith.constant 0.000000e+00 : f32
    %broadcast_in_dim3A_322 = vector.broadcast %jit3A_321 : f32 to vector<16xf32>
    %select_n3A_323 = arith.select %ge3A_320, %gather3A_317, %broadcast_in_dim3A_322 : vector<16xi1>, vector<16xf32>
    %add3A_324 = arith.addf %mul3A_308, %select_n3A_323 : vector<16xf32>
    %sub3A_325 = arith.constant 2 : i32
    %sub3A_326 = vector.broadcast %sub3A_325 : i32 to vector<16xi32>
    %sub3A_327 = arith.subi %iota3A, %sub3A_326 : vector<16xi32>
    %max3A_328 = arith.constant 0 : i32
    %max3A_329 = vector.broadcast %max3A_328 : i32 to vector<16xi32>
    %max3A_330 = arith.maxsi %sub3A_327, %max3A_329 : vector<16xi32>
    %broadcast_in_dim3A_331 = vector.shape_cast %max3A_330 : vector<16xi32> to vector<16x1xi32>
    %gather3A_332 = vector.shape_cast %broadcast_in_dim3A_331 : vector<16x1xi32> to vector<16xi32>
    %gather3A_333 = tpu.dynamic_gather %add3A_324[%gather3A_332] in [0] : vector<16xf32>, vector<16xi32> -> vector<16xf32>
    %ge3A_334 = arith.constant 2 : i32
    %ge3A_335 = vector.broadcast %ge3A_334 : i32 to vector<16xi32>
    %ge3A_336 = arith.cmpi sge, %iota3A, %ge3A_335 : vector<16xi32>
    %jit3A_337 = arith.constant 0.000000e+00 : f32
    %broadcast_in_dim3A_338 = vector.broadcast %jit3A_337 : f32 to vector<16xf32>
    %select_n3A_339 = arith.select %ge3A_336, %gather3A_333, %broadcast_in_dim3A_338 : vector<16xi1>, vector<16xf32>
    %add3A_340 = arith.addf %add3A_324, %select_n3A_339 : vector<16xf32>
    %sub3A_341 = arith.constant 4 : i32
    %sub3A_342 = vector.broadcast %sub3A_341 : i32 to vector<16xi32>
    %sub3A_343 = arith.subi %iota3A, %sub3A_342 : vector<16xi32>
    %max3A_344 = arith.constant 0 : i32
    %max3A_345 = vector.broadcast %max3A_344 : i32 to vector<16xi32>
    %max3A_346 = arith.maxsi %sub3A_343, %max3A_345 : vector<16xi32>
    %broadcast_in_dim3A_347 = vector.shape_cast %max3A_346 : vector<16xi32> to vector<16x1xi32>
    %gather3A_348 = vector.shape_cast %broadcast_in_dim3A_347 : vector<16x1xi32> to vector<16xi32>
    %gather3A_349 = tpu.dynamic_gather %add3A_340[%gather3A_348] in [0] : vector<16xf32>, vector<16xi32> -> vector<16xf32>
    %ge3A_350 = arith.constant 4 : i32
    %ge3A_351 = vector.broadcast %ge3A_350 : i32 to vector<16xi32>
    %ge3A_352 = arith.cmpi sge, %iota3A, %ge3A_351 : vector<16xi32>
    %jit3A_353 = arith.constant 0.000000e+00 : f32
    %broadcast_in_dim3A_354 = vector.broadcast %jit3A_353 : f32 to vector<16xf32>
    %select_n3A_355 = arith.select %ge3A_352, %gather3A_349, %broadcast_in_dim3A_354 : vector<16xi1>, vector<16xf32>
    %add3A_356 = arith.addf %add3A_340, %select_n3A_355 : vector<16xf32>
    %sub3A_357 = arith.constant 8 : i32
    %sub3A_358 = vector.broadcast %sub3A_357 : i32 to vector<16xi32>
    %sub3A_359 = arith.subi %iota3A, %sub3A_358 : vector<16xi32>
    %max3A_360 = arith.constant 0 : i32
    %max3A_361 = vector.broadcast %max3A_360 : i32 to vector<16xi32>
    %max3A_362 = arith.maxsi %sub3A_359, %max3A_361 : vector<16xi32>
    %broadcast_in_dim3A_363 = vector.shape_cast %max3A_362 : vector<16xi32> to vector<16x1xi32>
    %gather3A_364 = vector.shape_cast %broadcast_in_dim3A_363 : vector<16x1xi32> to vector<16xi32>
    %gather3A_365 = tpu.dynamic_gather %add3A_356[%gather3A_364] in [0] : vector<16xf32>, vector<16xi32> -> vector<16xf32>
    %ge3A_366 = arith.constant 8 : i32
    %ge3A_367 = vector.broadcast %ge3A_366 : i32 to vector<16xi32>
    %ge3A_368 = arith.cmpi sge, %iota3A, %ge3A_367 : vector<16xi32>
    %jit3A_369 = arith.constant 0.000000e+00 : f32
    %broadcast_in_dim3A_370 = vector.broadcast %jit3A_369 : f32 to vector<16xf32>
    %select_n3A_371 = arith.select %ge3A_368, %gather3A_365, %broadcast_in_dim3A_370 : vector<16xi1>, vector<16xf32>
    %add3A_372 = arith.addf %add3A_356, %select_n3A_371 : vector<16xf32>
    %swap3A_373 = arith.index_cast %mul3A_296 : i32 to index
    %swap3A_374 = tpu.vector_load %arg10[%swap3A_373] {strides = array<i32>} : memref<112xf32, #tpu.memory_space<vmem>>, vector<16xf32>,
    tpu.vector_store %arg10[%swap3A_373], %exp3A_301 {strides = array<i32>} : memref<112xf32, #tpu.memory_space<vmem>>, vector<16xf32>,
    %sub3A_375 = arith.subf %add3A_372, %mul3A_308 : vector<16xf32>
    %add3A_376 = arith.addf %sub3A_375, %add3A_293 : vector<16xf32>
    %mul3A_377 = arith.constant 16 : i32
    %mul3A_378 = arith.muli %scan3A_294, %mul3A_377 : i32
    %add3A_379 = arith.constant 112 : i32
    %add3A_380 = arith.addi %add3A_379, %mul3A_378 : i32
    %get3A_381 = arith.index_cast %add3A_380 : i32 to index
    %get3A_382 = tpu.vector_load %arg9[%get3A_381] {strides = array<i32>} : memref<336xf32, #tpu.memory_space<vmem>>, vector<16xf32>,
    %mul3A_383 = arith.mulf %exp3A_301, %get3A_382 : vector<16xf32>
    %sub3A_384 = arith.subf %add3A_376, %mul3A_383 : vector<16xf32>
    %swap3A_385 = arith.index_cast %mul3A_296 : i32 to index
    %swap3A_386 = tpu.vector_load %arg11[%swap3A_385] {strides = array<i32>} : memref<112xf32, #tpu.memory_space<vmem>>, vector<16xf32>,
    tpu.vector_store %arg11[%swap3A_385], %sub3A_384 {strides = array<i32>} : memref<112xf32, #tpu.memory_space<vmem>>, vector<16xf32>,
    %broadcast_in_dim3A_387 = arith.constant 15 : i32
    %broadcast_in_dim3A_388 = vector.broadcast %broadcast_in_dim3A_387 : i32 to vector<16xi32>
    %broadcast_in_dim3A_389 = vector.shape_cast %broadcast_in_dim3A_388 : vector<16xi32> to vector<16x1xi32>
    %gather3A_390 = vector.shape_cast %broadcast_in_dim3A_389 : vector<16x1xi32> to vector<16xi32>
    %gather3A_391 = tpu.dynamic_gather %add3A_372[%gather3A_390] in [0] : vector<16xf32>, vector<16xi32> -> vector<16xf32>
    %add3A_392 = arith.addf %add3A_293, %gather3A_391 : vector<16xf32>
    %scan3A_393 = arith.constant 4 : i32
    %mul3A_394 = arith.constant 16 : i32
    %mul3A_395 = arith.muli %scan3A_393, %mul3A_394 : i32
    %mul3A_396 = arith.constant 16 : i32
    %mul3A_397 = arith.muli %scan3A_393, %mul3A_396 : i32
    %get3A_398 = arith.index_cast %mul3A_397 : i32 to index
    %get3A_399 = tpu.vector_load %arg9[%get3A_398] {strides = array<i32>} : memref<336xf32, #tpu.memory_space<vmem>>, vector<16xf32>,
    %exp3A_400 = math.exp %get3A_399 : vector<16xf32>
    %mul3A_401 = arith.constant 16 : i32
    %mul3A_402 = arith.muli %scan3A_393, %mul3A_401 : i32
    %add3A_403 = arith.constant 224 : i32
    %add3A_404 = arith.addi %add3A_403, %mul3A_402 : i32
    %get3A_405 = arith.index_cast %add3A_404 : i32 to index
    %get3A_406 = tpu.vector_load %arg9[%get3A_405] {strides = array<i32>} : memref<336xf32, #tpu.memory_space<vmem>>, vector<16xf32>,
    %mul3A_407 = arith.mulf %exp3A_400, %get3A_406 : vector<16xf32>
    %sub3A_408 = arith.constant 1 : i32
    %sub3A_409 = vector.broadcast %sub3A_408 : i32 to vector<16xi32>
    %sub3A_410 = arith.subi %iota3A, %sub3A_409 : vector<16xi32>
    %max3A_411 = arith.constant 0 : i32
    %max3A_412 = vector.broadcast %max3A_411 : i32 to vector<16xi32>
    %max3A_413 = arith.maxsi %sub3A_410, %max3A_412 : vector<16xi32>
    %broadcast_in_dim3A_414 = vector.shape_cast %max3A_413 : vector<16xi32> to vector<16x1xi32>
    %gather3A_415 = vector.shape_cast %broadcast_in_dim3A_414 : vector<16x1xi32> to vector<16xi32>
    %gather3A_416 = tpu.dynamic_gather %mul3A_407[%gather3A_415] in [0] : vector<16xf32>, vector<16xi32> -> vector<16xf32>
    %ge3A_417 = arith.constant 1 : i32
    %ge3A_418 = vector.broadcast %ge3A_417 : i32 to vector<16xi32>
    %ge3A_419 = arith.cmpi sge, %iota3A, %ge3A_418 : vector<16xi32>
    %jit3A_420 = arith.constant 0.000000e+00 : f32
    %broadcast_in_dim3A_421 = vector.broadcast %jit3A_420 : f32 to vector<16xf32>
    %select_n3A_422 = arith.select %ge3A_419, %gather3A_416, %broadcast_in_dim3A_421 : vector<16xi1>, vector<16xf32>
    %add3A_423 = arith.addf %mul3A_407, %select_n3A_422 : vector<16xf32>
    %sub3A_424 = arith.constant 2 : i32
    %sub3A_425 = vector.broadcast %sub3A_424 : i32 to vector<16xi32>
    %sub3A_426 = arith.subi %iota3A, %sub3A_425 : vector<16xi32>
    %max3A_427 = arith.constant 0 : i32
    %max3A_428 = vector.broadcast %max3A_427 : i32 to vector<16xi32>
    %max3A_429 = arith.maxsi %sub3A_426, %max3A_428 : vector<16xi32>
    %broadcast_in_dim3A_430 = vector.shape_cast %max3A_429 : vector<16xi32> to vector<16x1xi32>
    %gather3A_431 = vector.shape_cast %broadcast_in_dim3A_430 : vector<16x1xi32> to vector<16xi32>
    %gather3A_432 = tpu.dynamic_gather %add3A_423[%gather3A_431] in [0] : vector<16xf32>, vector<16xi32> -> vector<16xf32>
    %ge3A_433 = arith.constant 2 : i32
    %ge3A_434 = vector.broadcast %ge3A_433 : i32 to vector<16xi32>
    %ge3A_435 = arith.cmpi sge, %iota3A, %ge3A_434 : vector<16xi32>
    %jit3A_436 = arith.constant 0.000000e+00 : f32
    %broadcast_in_dim3A_437 = vector.broadcast %jit3A_436 : f32 to vector<16xf32>
    %select_n3A_438 = arith.select %ge3A_435, %gather3A_432, %broadcast_in_dim3A_437 : vector<16xi1>, vector<16xf32>
    %add3A_439 = arith.addf %add3A_423, %select_n3A_438 : vector<16xf32>
    %sub3A_440 = arith.constant 4 : i32
    %sub3A_441 = vector.broadcast %sub3A_440 : i32 to vector<16xi32>
    %sub3A_442 = arith.subi %iota3A, %sub3A_441 : vector<16xi32>
    %max3A_443 = arith.constant 0 : i32
    %max3A_444 = vector.broadcast %max3A_443 : i32 to vector<16xi32>
    %max3A_445 = arith.maxsi %sub3A_442, %max3A_444 : vector<16xi32>
    %broadcast_in_dim3A_446 = vector.shape_cast %max3A_445 : vector<16xi32> to vector<16x1xi32>
    %gather3A_447 = vector.shape_cast %broadcast_in_dim3A_446 : vector<16x1xi32> to vector<16xi32>
    %gather3A_448 = tpu.dynamic_gather %add3A_439[%gather3A_447] in [0] : vector<16xf32>, vector<16xi32> -> vector<16xf32>
    %ge3A_449 = arith.constant 4 : i32
    %ge3A_450 = vector.broadcast %ge3A_449 : i32 to vector<16xi32>
    %ge3A_451 = arith.cmpi sge, %iota3A, %ge3A_450 : vector<16xi32>
    %jit3A_452 = arith.constant 0.000000e+00 : f32
    %broadcast_in_dim3A_453 = vector.broadcast %jit3A_452 : f32 to vector<16xf32>
    %select_n3A_454 = arith.select %ge3A_451, %gather3A_448, %broadcast_in_dim3A_453 : vector<16xi1>, vector<16xf32>
    %add3A_455 = arith.addf %add3A_439, %select_n3A_454 : vector<16xf32>
    %sub3A_456 = arith.constant 8 : i32
    %sub3A_457 = vector.broadcast %sub3A_456 : i32 to vector<16xi32>
    %sub3A_458 = arith.subi %iota3A, %sub3A_457 : vector<16xi32>
    %max3A_459 = arith.constant 0 : i32
    %max3A_460 = vector.broadcast %max3A_459 : i32 to vector<16xi32>
    %max3A_461 = arith.maxsi %sub3A_458, %max3A_460 : vector<16xi32>
    %broadcast_in_dim3A_462 = vector.shape_cast %max3A_461 : vector<16xi32> to vector<16x1xi32>
    %gather3A_463 = vector.shape_cast %broadcast_in_dim3A_462 : vector<16x1xi32> to vector<16xi32>
    %gather3A_464 = tpu.dynamic_gather %add3A_455[%gather3A_463] in [0] : vector<16xf32>, vector<16xi32> -> vector<16xf32>
    %ge3A_465 = arith.constant 8 : i32
    %ge3A_466 = vector.broadcast %ge3A_465 : i32 to vector<16xi32>
    %ge3A_467 = arith.cmpi sge, %iota3A, %ge3A_466 : vector<16xi32>
    %jit3A_468 = arith.constant 0.000000e+00 : f32
    %broadcast_in_dim3A_469 = vector.broadcast %jit3A_468 : f32 to vector<16xf32>
    %select_n3A_470 = arith.select %ge3A_467, %gather3A_464, %broadcast_in_dim3A_469 : vector<16xi1>, vector<16xf32>
    %add3A_471 = arith.addf %add3A_455, %select_n3A_470 : vector<16xf32>
    %swap3A_472 = arith.index_cast %mul3A_395 : i32 to index
    %swap3A_473 = tpu.vector_load %arg10[%swap3A_472] {strides = array<i32>} : memref<112xf32, #tpu.memory_space<vmem>>, vector<16xf32>,
    tpu.vector_store %arg10[%swap3A_472], %exp3A_400 {strides = array<i32>} : memref<112xf32, #tpu.memory_space<vmem>>, vector<16xf32>,
    %sub3A_474 = arith.subf %add3A_471, %mul3A_407 : vector<16xf32>
    %add3A_475 = arith.addf %sub3A_474, %add3A_392 : vector<16xf32>
    %mul3A_476 = arith.constant 16 : i32
    %mul3A_477 = arith.muli %scan3A_393, %mul3A_476 : i32
    %add3A_478 = arith.constant 112 : i32
    %add3A_479 = arith.addi %add3A_478, %mul3A_477 : i32
    %get3A_480 = arith.index_cast %add3A_479 : i32 to index
    %get3A_481 = tpu.vector_load %arg9[%get3A_480] {strides = array<i32>} : memref<336xf32, #tpu.memory_space<vmem>>, vector<16xf32>,
    %mul3A_482 = arith.mulf %exp3A_400, %get3A_481 : vector<16xf32>
    %sub3A_483 = arith.subf %add3A_475, %mul3A_482 : vector<16xf32>
    %swap3A_484 = arith.index_cast %mul3A_395 : i32 to index
    %swap3A_485 = tpu.vector_load %arg11[%swap3A_484] {strides = array<i32>} : memref<112xf32, #tpu.memory_space<vmem>>, vector<16xf32>,
    tpu.vector_store %arg11[%swap3A_484], %sub3A_483 {strides = array<i32>} : memref<112xf32, #tpu.memory_space<vmem>>, vector<16xf32>,
    %broadcast_in_dim3A_486 = arith.constant 15 : i32
    %broadcast_in_dim3A_487 = vector.broadcast %broadcast_in_dim3A_486 : i32 to vector<16xi32>
    %broadcast_in_dim3A_488 = vector.shape_cast %broadcast_in_dim3A_487 : vector<16xi32> to vector<16x1xi32>
    %gather3A_489 = vector.shape_cast %broadcast_in_dim3A_488 : vector<16x1xi32> to vector<16xi32>
    %gather3A_490 = tpu.dynamic_gather %add3A_471[%gather3A_489] in [0] : vector<16xf32>, vector<16xi32> -> vector<16xf32>
    %add3A_491 = arith.addf %add3A_392, %gather3A_490 : vector<16xf32>
    %scan3A_492 = arith.constant 5 : i32
    %mul3A_493 = arith.constant 16 : i32
    %mul3A_494 = arith.muli %scan3A_492, %mul3A_493 : i32
    %mul3A_495 = arith.constant 16 : i32
    %mul3A_496 = arith.muli %scan3A_492, %mul3A_495 : i32
    %get3A_497 = arith.index_cast %mul3A_496 : i32 to index
    %get3A_498 = tpu.vector_load %arg9[%get3A_497] {strides = array<i32>} : memref<336xf32, #tpu.memory_space<vmem>>, vector<16xf32>,
    %exp3A_499 = math.exp %get3A_498 : vector<16xf32>
    %mul3A_500 = arith.constant 16 : i32
    %mul3A_501 = arith.muli %scan3A_492, %mul3A_500 : i32
    %add3A_502 = arith.constant 224 : i32
    %add3A_503 = arith.addi %add3A_502, %mul3A_501 : i32
    %get3A_504 = arith.index_cast %add3A_503 : i32 to index
    %get3A_505 = tpu.vector_load %arg9[%get3A_504] {strides = array<i32>} : memref<336xf32, #tpu.memory_space<vmem>>, vector<16xf32>,
    %mul3A_506 = arith.mulf %exp3A_499, %get3A_505 : vector<16xf32>
    %sub3A_507 = arith.constant 1 : i32
    %sub3A_508 = vector.broadcast %sub3A_507 : i32 to vector<16xi32>
    %sub3A_509 = arith.subi %iota3A, %sub3A_508 : vector<16xi32>
    %max3A_510 = arith.constant 0 : i32
    %max3A_511 = vector.broadcast %max3A_510 : i32 to vector<16xi32>
    %max3A_512 = arith.maxsi %sub3A_509, %max3A_511 : vector<16xi32>
    %broadcast_in_dim3A_513 = vector.shape_cast %max3A_512 : vector<16xi32> to vector<16x1xi32>
    %gather3A_514 = vector.shape_cast %broadcast_in_dim3A_513 : vector<16x1xi32> to vector<16xi32>
    %gather3A_515 = tpu.dynamic_gather %mul3A_506[%gather3A_514] in [0] : vector<16xf32>, vector<16xi32> -> vector<16xf32>
    %ge3A_516 = arith.constant 1 : i32
    %ge3A_517 = vector.broadcast %ge3A_516 : i32 to vector<16xi32>
    %ge3A_518 = arith.cmpi sge, %iota3A, %ge3A_517 : vector<16xi32>
    %jit3A_519 = arith.constant 0.000000e+00 : f32
    %broadcast_in_dim3A_520 = vector.broadcast %jit3A_519 : f32 to vector<16xf32>
    %select_n3A_521 = arith.select %ge3A_518, %gather3A_515, %broadcast_in_dim3A_520 : vector<16xi1>, vector<16xf32>
    %add3A_522 = arith.addf %mul3A_506, %select_n3A_521 : vector<16xf32>
    %sub3A_523 = arith.constant 2 : i32
    %sub3A_524 = vector.broadcast %sub3A_523 : i32 to vector<16xi32>
    %sub3A_525 = arith.subi %iota3A, %sub3A_524 : vector<16xi32>
    %max3A_526 = arith.constant 0 : i32
    %max3A_527 = vector.broadcast %max3A_526 : i32 to vector<16xi32>
    %max3A_528 = arith.maxsi %sub3A_525, %max3A_527 : vector<16xi32>
    %broadcast_in_dim3A_529 = vector.shape_cast %max3A_528 : vector<16xi32> to vector<16x1xi32>
    %gather3A_530 = vector.shape_cast %broadcast_in_dim3A_529 : vector<16x1xi32> to vector<16xi32>
    %gather3A_531 = tpu.dynamic_gather %add3A_522[%gather3A_530] in [0] : vector<16xf32>, vector<16xi32> -> vector<16xf32>
    %ge3A_532 = arith.constant 2 : i32
    %ge3A_533 = vector.broadcast %ge3A_532 : i32 to vector<16xi32>
    %ge3A_534 = arith.cmpi sge, %iota3A, %ge3A_533 : vector<16xi32>
    %jit3A_535 = arith.constant 0.000000e+00 : f32
    %broadcast_in_dim3A_536 = vector.broadcast %jit3A_535 : f32 to vector<16xf32>
    %select_n3A_537 = arith.select %ge3A_534, %gather3A_531, %broadcast_in_dim3A_536 : vector<16xi1>, vector<16xf32>
    %add3A_538 = arith.addf %add3A_522, %select_n3A_537 : vector<16xf32>
    %sub3A_539 = arith.constant 4 : i32
    %sub3A_540 = vector.broadcast %sub3A_539 : i32 to vector<16xi32>
    %sub3A_541 = arith.subi %iota3A, %sub3A_540 : vector<16xi32>
    %max3A_542 = arith.constant 0 : i32
    %max3A_543 = vector.broadcast %max3A_542 : i32 to vector<16xi32>
    %max3A_544 = arith.maxsi %sub3A_541, %max3A_543 : vector<16xi32>
    %broadcast_in_dim3A_545 = vector.shape_cast %max3A_544 : vector<16xi32> to vector<16x1xi32>
    %gather3A_546 = vector.shape_cast %broadcast_in_dim3A_545 : vector<16x1xi32> to vector<16xi32>
    %gather3A_547 = tpu.dynamic_gather %add3A_538[%gather3A_546] in [0] : vector<16xf32>, vector<16xi32> -> vector<16xf32>
    %ge3A_548 = arith.constant 4 : i32
    %ge3A_549 = vector.broadcast %ge3A_548 : i32 to vector<16xi32>
    %ge3A_550 = arith.cmpi sge, %iota3A, %ge3A_549 : vector<16xi32>
    %jit3A_551 = arith.constant 0.000000e+00 : f32
    %broadcast_in_dim3A_552 = vector.broadcast %jit3A_551 : f32 to vector<16xf32>
    %select_n3A_553 = arith.select %ge3A_550, %gather3A_547, %broadcast_in_dim3A_552 : vector<16xi1>, vector<16xf32>
    %add3A_554 = arith.addf %add3A_538, %select_n3A_553 : vector<16xf32>
    %sub3A_555 = arith.constant 8 : i32
    %sub3A_556 = vector.broadcast %sub3A_555 : i32 to vector<16xi32>
    %sub3A_557 = arith.subi %iota3A, %sub3A_556 : vector<16xi32>
    %max3A_558 = arith.constant 0 : i32
    %max3A_559 = vector.broadcast %max3A_558 : i32 to vector<16xi32>
    %max3A_560 = arith.maxsi %sub3A_557, %max3A_559 : vector<16xi32>
    %broadcast_in_dim3A_561 = vector.shape_cast %max3A_560 : vector<16xi32> to vector<16x1xi32>
    %gather3A_562 = vector.shape_cast %broadcast_in_dim3A_561 : vector<16x1xi32> to vector<16xi32>
    %gather3A_563 = tpu.dynamic_gather %add3A_554[%gather3A_562] in [0] : vector<16xf32>, vector<16xi32> -> vector<16xf32>
    %ge3A_564 = arith.constant 8 : i32
    %ge3A_565 = vector.broadcast %ge3A_564 : i32 to vector<16xi32>
    %ge3A_566 = arith.cmpi sge, %iota3A, %ge3A_565 : vector<16xi32>
    %jit3A_567 = arith.constant 0.000000e+00 : f32
    %broadcast_in_dim3A_568 = vector.broadcast %jit3A_567 : f32 to vector<16xf32>
    %select_n3A_569 = arith.select %ge3A_566, %gather3A_563, %broadcast_in_dim3A_568 : vector<16xi1>, vector<16xf32>
    %add3A_570 = arith.addf %add3A_554, %select_n3A_569 : vector<16xf32>
    %swap3A_571 = arith.index_cast %mul3A_494 : i32 to index
    %swap3A_572 = tpu.vector_load %arg10[%swap3A_571] {strides = array<i32>} : memref<112xf32, #tpu.memory_space<vmem>>, vector<16xf32>,
    tpu.vector_store %arg10[%swap3A_571], %exp3A_499 {strides = array<i32>} : memref<112xf32, #tpu.memory_space<vmem>>, vector<16xf32>,
    %sub3A_573 = arith.subf %add3A_570, %mul3A_506 : vector<16xf32>
    %add3A_574 = arith.addf %sub3A_573, %add3A_491 : vector<16xf32>
    %mul3A_575 = arith.constant 16 : i32
    %mul3A_576 = arith.muli %scan3A_492, %mul3A_575 : i32
    %add3A_577 = arith.constant 112 : i32
    %add3A_578 = arith.addi %add3A_577, %mul3A_576 : i32
    %get3A_579 = arith.index_cast %add3A_578 : i32 to index
    %get3A_580 = tpu.vector_load %arg9[%get3A_579] {strides = array<i32>} : memref<336xf32, #tpu.memory_space<vmem>>, vector<16xf32>,
    %mul3A_581 = arith.mulf %exp3A_499, %get3A_580 : vector<16xf32>
    %sub3A_582 = arith.subf %add3A_574, %mul3A_581 : vector<16xf32>
    %swap3A_583 = arith.index_cast %mul3A_494 : i32 to index
    %swap3A_584 = tpu.vector_load %arg11[%swap3A_583] {strides = array<i32>} : memref<112xf32, #tpu.memory_space<vmem>>, vector<16xf32>,
    tpu.vector_store %arg11[%swap3A_583], %sub3A_582 {strides = array<i32>} : memref<112xf32, #tpu.memory_space<vmem>>, vector<16xf32>,
    %broadcast_in_dim3A_585 = arith.constant 15 : i32
    %broadcast_in_dim3A_586 = vector.broadcast %broadcast_in_dim3A_585 : i32 to vector<16xi32>
    %broadcast_in_dim3A_587 = vector.shape_cast %broadcast_in_dim3A_586 : vector<16xi32> to vector<16x1xi32>
    %gather3A_588 = vector.shape_cast %broadcast_in_dim3A_587 : vector<16x1xi32> to vector<16xi32>
    %gather3A_589 = tpu.dynamic_gather %add3A_570[%gather3A_588] in [0] : vector<16xf32>, vector<16xi32> -> vector<16xf32>
    %add3A_590 = arith.addf %add3A_491, %gather3A_589 : vector<16xf32>
    %scan3A_591 = arith.constant 6 : i32
    %mul3A_592 = arith.constant 16 : i32
    %mul3A_593 = arith.muli %scan3A_591, %mul3A_592 : i32
    %mul3A_594 = arith.constant 16 : i32
    %mul3A_595 = arith.muli %scan3A_591, %mul3A_594 : i32
    %get3A_596 = arith.index_cast %mul3A_595 : i32 to index
    %get3A_597 = tpu.vector_load %arg9[%get3A_596] {strides = array<i32>} : memref<336xf32, #tpu.memory_space<vmem>>, vector<16xf32>,
    %exp3A_598 = math.exp %get3A_597 : vector<16xf32>
    %mul3A_599 = arith.constant 16 : i32
    %mul3A_600 = arith.muli %scan3A_591, %mul3A_599 : i32
    %add3A_601 = arith.constant 224 : i32
    %add3A_602 = arith.addi %add3A_601, %mul3A_600 : i32
    %get3A_603 = arith.index_cast %add3A_602 : i32 to index
    %get3A_604 = tpu.vector_load %arg9[%get3A_603] {strides = array<i32>} : memref<336xf32, #tpu.memory_space<vmem>>, vector<16xf32>,
    %mul3A_605 = arith.mulf %exp3A_598, %get3A_604 : vector<16xf32>
    %sub3A_606 = arith.constant 1 : i32
    %sub3A_607 = vector.broadcast %sub3A_606 : i32 to vector<16xi32>
    %sub3A_608 = arith.subi %iota3A, %sub3A_607 : vector<16xi32>
    %max3A_609 = arith.constant 0 : i32
    %max3A_610 = vector.broadcast %max3A_609 : i32 to vector<16xi32>
    %max3A_611 = arith.maxsi %sub3A_608, %max3A_610 : vector<16xi32>
    %broadcast_in_dim3A_612 = vector.shape_cast %max3A_611 : vector<16xi32> to vector<16x1xi32>
    %gather3A_613 = vector.shape_cast %broadcast_in_dim3A_612 : vector<16x1xi32> to vector<16xi32>
    %gather3A_614 = tpu.dynamic_gather %mul3A_605[%gather3A_613] in [0] : vector<16xf32>, vector<16xi32> -> vector<16xf32>
    %ge3A_615 = arith.constant 1 : i32
    %ge3A_616 = vector.broadcast %ge3A_615 : i32 to vector<16xi32>
    %ge3A_617 = arith.cmpi sge, %iota3A, %ge3A_616 : vector<16xi32>
    %jit3A_618 = arith.constant 0.000000e+00 : f32
    %broadcast_in_dim3A_619 = vector.broadcast %jit3A_618 : f32 to vector<16xf32>
    %select_n3A_620 = arith.select %ge3A_617, %gather3A_614, %broadcast_in_dim3A_619 : vector<16xi1>, vector<16xf32>
    %add3A_621 = arith.addf %mul3A_605, %select_n3A_620 : vector<16xf32>
    %sub3A_622 = arith.constant 2 : i32
    %sub3A_623 = vector.broadcast %sub3A_622 : i32 to vector<16xi32>
    %sub3A_624 = arith.subi %iota3A, %sub3A_623 : vector<16xi32>
    %max3A_625 = arith.constant 0 : i32
    %max3A_626 = vector.broadcast %max3A_625 : i32 to vector<16xi32>
    %max3A_627 = arith.maxsi %sub3A_624, %max3A_626 : vector<16xi32>
    %broadcast_in_dim3A_628 = vector.shape_cast %max3A_627 : vector<16xi32> to vector<16x1xi32>
    %gather3A_629 = vector.shape_cast %broadcast_in_dim3A_628 : vector<16x1xi32> to vector<16xi32>
    %gather3A_630 = tpu.dynamic_gather %add3A_621[%gather3A_629] in [0] : vector<16xf32>, vector<16xi32> -> vector<16xf32>
    %ge3A_631 = arith.constant 2 : i32
    %ge3A_632 = vector.broadcast %ge3A_631 : i32 to vector<16xi32>
    %ge3A_633 = arith.cmpi sge, %iota3A, %ge3A_632 : vector<16xi32>
    %jit3A_634 = arith.constant 0.000000e+00 : f32
    %broadcast_in_dim3A_635 = vector.broadcast %jit3A_634 : f32 to vector<16xf32>
    %select_n3A_636 = arith.select %ge3A_633, %gather3A_630, %broadcast_in_dim3A_635 : vector<16xi1>, vector<16xf32>
    %add3A_637 = arith.addf %add3A_621, %select_n3A_636 : vector<16xf32>
    %sub3A_638 = arith.constant 4 : i32
    %sub3A_639 = vector.broadcast %sub3A_638 : i32 to vector<16xi32>
    %sub3A_640 = arith.subi %iota3A, %sub3A_639 : vector<16xi32>
    %max3A_641 = arith.constant 0 : i32
    %max3A_642 = vector.broadcast %max3A_641 : i32 to vector<16xi32>
    %max3A_643 = arith.maxsi %sub3A_640, %max3A_642 : vector<16xi32>
    %broadcast_in_dim3A_644 = vector.shape_cast %max3A_643 : vector<16xi32> to vector<16x1xi32>
    %gather3A_645 = vector.shape_cast %broadcast_in_dim3A_644 : vector<16x1xi32> to vector<16xi32>
    %gather3A_646 = tpu.dynamic_gather %add3A_637[%gather3A_645] in [0] : vector<16xf32>, vector<16xi32> -> vector<16xf32>
    %ge3A_647 = arith.constant 4 : i32
    %ge3A_648 = vector.broadcast %ge3A_647 : i32 to vector<16xi32>
    %ge3A_649 = arith.cmpi sge, %iota3A, %ge3A_648 : vector<16xi32>
    %jit3A_650 = arith.constant 0.000000e+00 : f32
    %broadcast_in_dim3A_651 = vector.broadcast %jit3A_650 : f32 to vector<16xf32>
    %select_n3A_652 = arith.select %ge3A_649, %gather3A_646, %broadcast_in_dim3A_651 : vector<16xi1>, vector<16xf32>
    %add3A_653 = arith.addf %add3A_637, %select_n3A_652 : vector<16xf32>
    %sub3A_654 = arith.constant 8 : i32
    %sub3A_655 = vector.broadcast %sub3A_654 : i32 to vector<16xi32>
    %sub3A_656 = arith.subi %iota3A, %sub3A_655 : vector<16xi32>
    %max3A_657 = arith.constant 0 : i32
    %max3A_658 = vector.broadcast %max3A_657 : i32 to vector<16xi32>
    %max3A_659 = arith.maxsi %sub3A_656, %max3A_658 : vector<16xi32>
    %broadcast_in_dim3A_660 = vector.shape_cast %max3A_659 : vector<16xi32> to vector<16x1xi32>
    %gather3A_661 = vector.shape_cast %broadcast_in_dim3A_660 : vector<16x1xi32> to vector<16xi32>
    %gather3A_662 = tpu.dynamic_gather %add3A_653[%gather3A_661] in [0] : vector<16xf32>, vector<16xi32> -> vector<16xf32>
    %ge3A_663 = arith.constant 8 : i32
    %ge3A_664 = vector.broadcast %ge3A_663 : i32 to vector<16xi32>
    %ge3A_665 = arith.cmpi sge, %iota3A, %ge3A_664 : vector<16xi32>
    %jit3A_666 = arith.constant 0.000000e+00 : f32
    %broadcast_in_dim3A_667 = vector.broadcast %jit3A_666 : f32 to vector<16xf32>
    %select_n3A_668 = arith.select %ge3A_665, %gather3A_662, %broadcast_in_dim3A_667 : vector<16xi1>, vector<16xf32>
    %add3A_669 = arith.addf %add3A_653, %select_n3A_668 : vector<16xf32>
    %swap3A_670 = arith.index_cast %mul3A_593 : i32 to index
    %swap3A_671 = tpu.vector_load %arg10[%swap3A_670] {strides = array<i32>} : memref<112xf32, #tpu.memory_space<vmem>>, vector<16xf32>,
    tpu.vector_store %arg10[%swap3A_670], %exp3A_598 {strides = array<i32>} : memref<112xf32, #tpu.memory_space<vmem>>, vector<16xf32>,
    %sub3A_672 = arith.subf %add3A_669, %mul3A_605 : vector<16xf32>
    %add3A_673 = arith.addf %sub3A_672, %add3A_590 : vector<16xf32>
    %mul3A_674 = arith.constant 16 : i32
    %mul3A_675 = arith.muli %scan3A_591, %mul3A_674 : i32
    %add3A_676 = arith.constant 112 : i32
    %add3A_677 = arith.addi %add3A_676, %mul3A_675 : i32
    %get3A_678 = arith.index_cast %add3A_677 : i32 to index
    %get3A_679 = tpu.vector_load %arg9[%get3A_678] {strides = array<i32>} : memref<336xf32, #tpu.memory_space<vmem>>, vector<16xf32>,
    %mul3A_680 = arith.mulf %exp3A_598, %get3A_679 : vector<16xf32>
    %sub3A_681 = arith.subf %add3A_673, %mul3A_680 : vector<16xf32>
    %swap3A_682 = arith.index_cast %mul3A_593 : i32 to index
    %swap3A_683 = tpu.vector_load %arg11[%swap3A_682] {strides = array<i32>} : memref<112xf32, #tpu.memory_space<vmem>>, vector<16xf32>,
    tpu.vector_store %arg11[%swap3A_682], %sub3A_681 {strides = array<i32>} : memref<112xf32, #tpu.memory_space<vmem>>, vector<16xf32>,
    %broadcast_in_dim3A_684 = arith.constant 15 : i32
    %broadcast_in_dim3A_685 = vector.broadcast %broadcast_in_dim3A_684 : i32 to vector<16xi32>
    %broadcast_in_dim3A_686 = vector.shape_cast %broadcast_in_dim3A_685 : vector<16xi32> to vector<16x1xi32>
    %gather3A_687 = vector.shape_cast %broadcast_in_dim3A_686 : vector<16x1xi32> to vector<16xi32>
    %gather3A_688 = tpu.dynamic_gather %add3A_669[%gather3A_687] in [0] : vector<16xf32>, vector<16xi32> -> vector<16xf32>
    %add3A_689 = arith.addf %add3A_590, %gather3A_688 : vector<16xf32>
    %scan3A_690 = arith.constant 7 : i32
    %dma_wait3A = tpu.memref_slice %arg2[%mul3A_2] : memref<16384xf32, #tpu.memory_space<hbm>> -> memref<512xf32, #tpu.memory_space<hbm>>
    %dma_wait3A_691 = tpu.memref_slice %arg2[%mul3A_2] : memref<16384xf32, #tpu.memory_space<hbm>> -> memref<512xf32, #tpu.memory_space<hbm>>
    tpu.wait_dma2 semaphore(%arg15 : memref<!tpu.dma_semaphore, #tpu.memory_space<semaphore_mem>>) src(%dma_wait3A_691 : memref<512xf32, #tpu.memory_space<hbm>>) dst(%arg7 : memref<512xf32, #tpu.memory_space<vmem>>)
    %dma_wait3A_692 = tpu.memref_slice %arg3[%mul3A_2] : memref<16384xi32, #tpu.memory_space<hbm>> -> memref<512xi32, #tpu.memory_space<hbm>>
    %dma_wait3A_693 = tpu.memref_slice %arg3[%mul3A_2] : memref<16384xi32, #tpu.memory_space<hbm>> -> memref<512xi32, #tpu.memory_space<hbm>>
    tpu.wait_dma2 semaphore(%arg15 : memref<!tpu.dma_semaphore, #tpu.memory_space<semaphore_mem>>) src(%dma_wait3A_693 : memref<512xi32, #tpu.memory_space<hbm>>) dst(%arg8 : memref<512xi32, #tpu.memory_space<vmem>>)
    %parallel_loop3A = arith.constant 0 : i32
    %parallel_loop3A_694 = arith.constant 32 : i32
    %parallel_loop3A_695 = arith.constant 1 : i32
    scf.for %parallel_loop3A_704 = %parallel_loop3A to %parallel_loop3A_694 step %parallel_loop3A_695  : i32 {
      %parallel_loop3A_705 = arith.constant 16 : i32
      %parallel_loop3A_706 = arith.muli %parallel_loop3A_704, %parallel_loop3A_705 : i32
      %parallel_loop3A_707 = arith.index_cast %parallel_loop3A_706 : i32 to index
      %parallel_loop3A_708 = tpu.vector_load %arg8[%parallel_loop3A_707] {strides = array<i32>} : memref<512xi32, #tpu.memory_space<vmem>>, vector<16xi32>,
      %parallel_loop3A_709 = arith.index_cast %parallel_loop3A_706 : i32 to index
      %parallel_loop3A_710 = tpu.vector_load %arg7[%parallel_loop3A_709] {strides = array<i32>} : memref<512xf32, #tpu.memory_space<vmem>>, vector<16xf32>,
      %parallel_loop3A_711 = arith.constant 0 : i32
      %parallel_loop3A_712 = tpu.memref_slice %arg9[%parallel_loop3A_711] : memref<336xf32, #tpu.memory_space<vmem>> -> memref<112xf32, #tpu.memory_space<vmem>>
      %parallel_loop3A_713 = tpu.vector_load_idx %parallel_loop3A_712[%parallel_loop3A_708] : memref<112xf32, #tpu.memory_space<vmem>>[vector<16xi32>], vector<16xf32>,
      %parallel_loop3A_714 = arith.index_cast %parallel_loop3A_706 : i32 to index
      %parallel_loop3A_715 = tpu.vector_load %arg12[%parallel_loop3A_714] {strides = array<i32>} : memref<512xf32, #tpu.memory_space<vmem>>, vector<16xf32>,
      tpu.vector_store %arg12[%parallel_loop3A_714], %parallel_loop3A_713 {strides = array<i32>} : memref<512xf32, #tpu.memory_space<vmem>>, vector<16xf32>,
      %parallel_loop3A_716 = tpu.vector_load_idx %arg10[%parallel_loop3A_708] : memref<112xf32, #tpu.memory_space<vmem>>[vector<16xi32>], vector<16xf32>,
      %parallel_loop3A_717 = arith.mulf %parallel_loop3A_716, %parallel_loop3A_710 : vector<16xf32>
      %parallel_loop3A_718 = tpu.vector_load_idx %arg11[%parallel_loop3A_708] : memref<112xf32, #tpu.memory_space<vmem>>[vector<16xi32>], vector<16xf32>,
      %parallel_loop3A_719 = arith.addf %parallel_loop3A_717, %parallel_loop3A_718 : vector<16xf32>
      %parallel_loop3A_720 = arith.index_cast %parallel_loop3A_706 : i32 to index
      %parallel_loop3A_721 = tpu.vector_load %arg13[%parallel_loop3A_720] {strides = array<i32>} : memref<512xf32, #tpu.memory_space<vmem>>, vector<16xf32>,
      tpu.vector_store %arg13[%parallel_loop3A_720], %parallel_loop3A_719 {strides = array<i32>} : memref<512xf32, #tpu.memory_space<vmem>>, vector<16xf32>,
    } {sc.loop_unroll_factor = 4 : i64, sc.parallel_access}
    %dma_start3A_696 = tpu.memref_slice %arg5[%mul3A_2] : memref<16384xf32, #tpu.memory_space<hbm>> -> memref<512xf32, #tpu.memory_space<hbm>>
    %dma_start3A_697 = tpu.memref_slice %arg5[%mul3A_2] : memref<16384xf32, #tpu.memory_space<hbm>> -> memref<512xf32, #tpu.memory_space<hbm>>
    tpu.enqueue_dma source(%arg12 : memref<512xf32, #tpu.memory_space<vmem>>) target(%dma_start3A_697 : memref<512xf32, #tpu.memory_space<hbm>>) target_semaphore(%arg16 : memref<!tpu.dma_semaphore, #tpu.memory_space<semaphore_mem>>)
    %dma_start3A_698 = tpu.memref_slice %arg6[%mul3A_2] : memref<16384xf32, #tpu.memory_space<hbm>> -> memref<512xf32, #tpu.memory_space<hbm>>
    %dma_start3A_699 = tpu.memref_slice %arg6[%mul3A_2] : memref<16384xf32, #tpu.memory_space<hbm>> -> memref<512xf32, #tpu.memory_space<hbm>>
    tpu.enqueue_dma source(%arg13 : memref<512xf32, #tpu.memory_space<vmem>>) target(%dma_start3A_699 : memref<512xf32, #tpu.memory_space<hbm>>) target_semaphore(%arg16 : memref<!tpu.dma_semaphore, #tpu.memory_space<semaphore_mem>>)
    %dma_wait3A_700 = tpu.memref_slice %arg5[%mul3A_2] : memref<16384xf32, #tpu.memory_space<hbm>> -> memref<512xf32, #tpu.memory_space<hbm>>
    %dma_wait3A_701 = tpu.memref_slice %arg5[%mul3A_2] : memref<16384xf32, #tpu.memory_space<hbm>> -> memref<512xf32, #tpu.memory_space<hbm>>
    tpu.wait_dma2 semaphore(%arg16 : memref<!tpu.dma_semaphore, #tpu.memory_space<semaphore_mem>>) src(%arg12 : memref<512xf32, #tpu.memory_space<vmem>>) dst(%dma_wait3A_701 : memref<512xf32, #tpu.memory_space<hbm>>)
    %dma_wait3A_702 = tpu.memref_slice %arg6[%mul3A_2] : memref<16384xf32, #tpu.memory_space<hbm>> -> memref<512xf32, #tpu.memory_space<hbm>>
    %dma_wait3A_703 = tpu.memref_slice %arg6[%mul3A_2] : memref<16384xf32, #tpu.memory_space<hbm>> -> memref<512xf32, #tpu.memory_space<hbm>>
    tpu.wait_dma2 semaphore(%arg16 : memref<!tpu.dma_semaphore, #tpu.memory_space<semaphore_mem>>) src(%arg13 : memref<512xf32, #tpu.memory_space<vmem>>) dst(%dma_wait3A_703 : memref<512xf32, #tpu.memory_space<hbm>>)
    return
  }
}

</mosaic_0001>

<sc_bundles>
// kernel: kernel.3.cloned.1.call-start
scs
__scs_entry_jumppad:
0x0: {  	(pc) =	sbr.rel $0x88, $3  }
0x1: {  	(tag) =	ssettag $0x0;
	lr =	simm.s32 $0x1  }
0x2: {  	[smem:$0x3F9C] =	sst lr;
	_ =	strace $0xD0000000  }
0x3: {  	_ = 	snop  }
0x4: {  	_ = 	snop  }
0x5: {  	_ = 	snop  }
0x6: {  	_ = 	snop  }
0x7: {  	_ = 	snop  }
__scs_overlays_trampoline_lowered:
0x8: {  	[smem:$0x3FAB] =	sst s0  }
0x9: {  	[smem:$0x3FAC] =	sst s1  }
0xa: {  	[smem:$0x3FAD] =	sst s2  }
0xb: {  	[smem:$0x3FAE] =	sst s3  }
0xc: {  	[smem:$0x3FAF] =	sst s4  }
0xd: {  	[smem:$0x3FB0] =	sst s5  }
0xe: {  	[smem:$0x3FB1] =	sst s6  }
0xf: {  	[smem:$0x3FB2] =	sst s7  }
0x10: {  	[smem:$0x3FB3] =	sst s8  }
0x11: {  	[smem:$0x3FB4] =	sst s9;
	s0 =	simm.s32 @!p0 $0x0  }
0x12: {  	s1 =	sld [smem:$0x3F9A];
	s0 =	simm.s32 @p0 $0x1  }
0x13: {  	[smem:$0x3FB5] =	sst s0;
	s0 =	simm.s32 @!p1 $0x0  }
0x14: {  	s2 =	sld [smem:$0x3F99];
	s0 =	simm.s32 @p1 $0x1  }
0x15: {  	[smem:$0x3FB6] =	sst s0;
	s0 =	simm.s32 @!p2 $0x0  }
0x16: {  	s3 =	sld [smem:$0x3FDB];
	s0 =	simm.s32 @p2 $0x1  }
0x17: {  	s4 =	simm.s32 $0x1BF5;
	[smem:$0x3FB8] =	sst s0  }
0x18: {  	s0 =	sld [smem:$0x3F9B];
	_ =	swait.ge [sflag:s4], $0x0  }
0x19: {  	s7 =	sld [smem:$0x3F9C]  }
0x1a: {  	s8 =	sadd.s32 $0xFFFFE003, lr  }
0x1b: {  	s9 =	sadd.s32 $0xFFFFFEF7, lr;
	s5 =	simm.s32 $0xFFFFFFFF;
	p2 =	slt.u32 s8, $0xFFFFF086  }
0x1c: {  	p1 =	slt.u32 s9, $0xF7A;
	s5 =	simm.s32 @!p2 $0x0  }
0x1d: {  	s5 =	simm.s32 @p1 $0x1;
	p0 =	seq.s32 s7, s2  }
0x1e: {  	s7 =	smul.u32 @!p0 $0xF7A, s2;
	p2 =	seq.s32 @!p0 s5, $0x0  }
0x1f: {  	s9 =	smul.u32 $0xF7A, s1;
	s8 =	simm.s32 @!p0 $0x1BF5;
	p2 =	por !p2, p0  }
0x20: {  	[sflag:s8] =	ssyncset.s32 @!p0 $0xFFFFF086;
	s6 =	sadd.s32 @!p0 s3, s7;
	s7 =	simm.s32 @!p0 $0x108  }
0x21: {  	s3 =	sadd.s32 s3, s9;
	s6 =	sadd.s32 @!p0 $0x88, s6;
	s7 =	simm.s32 @p2 $0x1082  }
0x22: {  	[simem:s7], [sflag:s8] =	dma.local @!p0 [hbm:s6], $0xF7A  }
0x23: {  	s9 =	sor.u32 $0xD0000000, s2;
	s6 =	simm.s32 $0x108;
	_ =	swait.ge @!p0 [sflag:s8], $0x0  }
0x24: {  	s3 =	sadd.s32 $0x88, s3;
	s6 =	simm.s32 @!p1 $0x1082;
	[sflag:s4] =	ssyncset.s32 $0xFFFFF086  }
0x25: {  	[simem:s6], [sflag:s4] =	dma.local [hbm:s3], $0xF7A  }
0x26: {  	[smem:$0x3F9C] =	sst s1;
	(tag) =	ssettag s2;
	_ =	strace s9  }
0x27: {  	s1 =	sld [smem:$0x3FAC]  }
0x28: {  	s2 =	sld [smem:$0x3FAD]  }
0x29: {  	s4 =	sld [smem:$0x3FAF]  }
0x2a: {  	p0 =	seq.s32 s5, $0x0;
	s5 =	sld [smem:$0x3FB0]  }
0x2b: {  	s6 =	sld [smem:$0x3FB1]  }
0x2c: {  	s7 =	sld [smem:$0x3FB2]  }
0x2d: {  	s3 =	simm.s32 $0x108;
	s8 =	sld [smem:$0x3FB3]  }
0x2e: {  	s3 =	simm.s32 @!p0 $0x1082;
	s9 =	sld [smem:$0x3FB4]  }
0x2f: {  	lr =	sadd.s32 s0, s3;
	s0 =	sld [smem:$0x3FAB]  }
0x30: {  	s3 =	sld [smem:$0x3FAE]  }
0x31: {  	[smem:$0x3FB7] =	sst s10  }
0x32: {  	s10 =	sld [smem:$0x3FB5];
	_ =	sdelay $0x3  }
0x33: {  	p0 =	seq.s32 s10, $0x1;
	s10 =	sld [smem:$0x3FB7];
	_ =	sdelay $0x3  }
0x34: {  	[smem:$0x3FB7] =	sst s10  }
0x35: {  	s10 =	sld [smem:$0x3FB6];
	_ =	sdelay $0x3  }
0x36: {  	p1 =	seq.s32 s10, $0x1;
	s10 =	sld [smem:$0x3FB7];
	_ =	sdelay $0x3  }
0x37: {  	[smem:$0x3FB7] =	sst s10  }
0x38: {  	s10 =	sld [smem:$0x3FB8]  }
0x39: {  	_ = 	snop;
	(pc) =	sbr.ind lr, $3  }
0x3a: {  	_ = 	snop  }
0x3b: {  	_ = 	snop  }
0x3c: {  	p2 =	seq.s32 s10, $0x1;
	s10 =	sld [smem:$0x3FB7]  }
0x3d: {  	_ =	shalt  }
0x3e: {  	_ =	shalt  }
0x3f: {  	_ =	shalt  }
0x40: {  	_ =	shalt  }
0x41: {  	_ =	shalt  }
0x42: {  	_ =	shalt  }
0x43: {  	_ =	shalt  }
0x44: {  	_ =	shalt  }
0x45: {  	_ =	shalt  }
0x46: {  	_ =	shalt  }
0x47: {  	_ =	shalt  }
0x48: {  	_ =	shalt  }
0x49: {  	_ =	shalt  }
0x4a: {  	_ =	shalt  }
0x4b: {  	_ =	shalt  }
0x4c: {  	_ =	shalt  }
0x4d: {  	_ =	shalt  }
0x4e: {  	_ =	shalt  }
0x4f: {  	_ =	shalt  }
0x50: {  	_ =	shalt  }
0x51: {  	_ =	shalt  }
0x52: {  	_ =	shalt  }
0x53: {  	_ =	shalt  }
0x54: {  	_ =	shalt  }
0x55: {  	_ =	shalt  }
0x56: {  	_ =	shalt  }
0x57: {  	_ =	shalt  }
0x58: {  	_ =	shalt  }
0x59: {  	_ =	shalt  }
0x5a: {  	_ =	shalt  }
0x5b: {  	_ =	shalt  }
0x5c: {  	_ =	shalt  }
0x5d: {  	_ =	shalt  }
0x5e: {  	_ =	shalt  }
0x5f: {  	_ =	shalt  }
0x60: {  	_ =	shalt  }
0x61: {  	_ =	shalt  }
0x62: {  	_ =	shalt  }
0x63: {  	_ =	shalt  }
0x64: {  	_ =	shalt  }
0x65: {  	_ =	shalt  }
0x66: {  	_ =	shalt  }
0x67: {  	_ =	shalt  }
0x68: {  	_ =	shalt  }
0x69: {  	_ =	shalt  }
0x6a: {  	_ =	shalt  }
0x6b: {  	_ =	shalt  }
0x6c: {  	_ =	shalt  }
0x6d: {  	_ =	shalt  }
0x6e: {  	_ =	shalt  }
0x6f: {  	_ =	shalt  }
0x70: {  	_ =	shalt  }
0x71: {  	_ =	shalt  }
0x72: {  	_ =	shalt  }
0x73: {  	_ =	shalt  }
0x74: {  	_ =	shalt  }
0x75: {  	_ =	shalt  }
0x76: {  	_ =	shalt  }
0x77: {  	_ =	shalt  }
0x78: {  	_ =	shalt  }
0x79: {  	_ =	shalt  }
0x7a: {  	_ =	shalt  }
0x7b: {  	_ =	shalt  }
0x7c: {  	_ =	shalt  }
0x7d: {  	_ =	shalt  }
0x7e: {  	_ =	shalt  }
0x7f: {  	_ =	shalt  }
0x80: {  	_ =	shalt  }
0x81: {  	_ =	shalt  }
0x82: {  	_ =	shalt  }
0x83: {  	_ =	shalt  }
0x84: {  	_ =	shalt  }
0x85: {  	_ =	shalt  }
0x86: {  	_ =	shalt  }
0x87: {  	_ =	shalt  }
.Lfunc_end0:
.L_simem_size_0:
called_computation_lowered:
.L_overlay_start_0:
0x88: {  	s2 =	sld [smem:$0x3FD9]  }
0x89: {  	s3 =	sld [smem:$0x3FFE];
	_ =	sdelay $0x1  }
0x8a: {  	s1 =	srdreg.scid  }
0x8b: {  	s0 =	sand.u32 $0x1, s1  }
0x8c: {  	s14 =	sshll.u32 s0, $0xA;
	s2 =	sadd.s32 s3, s2  }
0x8d: {  	s2 =	sadd.s32 s2, s14  }
0x8e: {  	[smem:$0x3FC3] =	sst s2  }
0x8f: {  	_ = 	snop  }
0x90: {  	s2 =	sld [smem:$0x3FD0];
	_ =	sdelay $0x1  }
0x91: {  	s15 =	sld [smem:$0x3FC9]  }
0x92: {  	s5 =	simm.s32 $0xA;
	s6 =	simm.s32 $0x10;
	s4 =	sld [smem:$0x3FC8]  }
0x93: {  	[smem:s6], [sflag:s5] =	dma.local [hbm:s2], $0x1  }
0x94: {  	_ =	swait.eq [sflag:s5], $0x1  }
0x95: {  	[sflag:s5] =	ssyncset.done $0x0  }
0x96: {  	s16 =	sld [smem:$0x10];
	[sflag:s5] =	ssyncadd.s32 $0xFFFFFFFF  }
0x97: {  	s17 =	sld [smem:$0x11];
	(tm) =	ssettm $0x1  }
0x98: {  	s18 =	sld [smem:$0x3FFB];
	_ =	sdelay $0x3  }
0x99: {  	_ =	strace s18  }
0x9a: {  	s6 =	sld [smem:$0x3FFC];
	_ =	sdelay $0x3  }
0x9b: {  	_ =	strace s6  }
0x9c: {  	s6 =	sld [smem:$0x3FFD];
	_ =	sdelay $0x3  }
0x9d: {  	_ =	strace s6  }
0x9e: {  	_ =	strace $0x8FFFFFFF  }
0x9f: {  	s19 =	sld [smem:$0x3FDB];
	_ =	sdelay $0x1  }
0xa0: {  	s7 =	simm.s32 $_scs_section_size  }
0xa1: {  	s8 =	simm.s32 $_size__tile_overlayer_lowered;
	s9 =	simm.s32 $_tile_overlayer_lowered  }
0xa2: {  	s22 =	simm.s32 $0x1BFF;
	s21 =	sshll.u32 s9, $0x1;
	s6 =	sadd.s32 s7, s19  }
0xa3: {  	s10 =	simm.s32 $0x0;
	s20 =	sshll.u32 s8, $0x1;
	s8 =	sadd.s32 s21, s6  }
0xa4: {  	[timem:s10], [sflag:s22] =	dma.local [hbm:s8], s20  }
0xa5: {  	_ =	swait.ge [sflag:s22], s20  }
0xa6: {  	s7 =	ssub.s32 $0x0, s20;
	[sflag:s22] =	ssyncset.done $0x0  }
0xa7: {  	[sflag:s22] =	ssyncadd.s32 s7;
	_ =	sdelay $0x1  }
0xa8: {  	s23 =	simm.s32 $0x1B8B  }
0xa9: {  	_ =	swait.ge [sflag:s23], $0x1  }
0xaa: {  	[sflag:s23] =	ssyncset.done $0x0  }
0xab: {  	s25 =	simm.s32 $0x1B8E;
	s24 =	sld [smem:$0x3FFE];
	[sflag:s23] =	ssyncadd.s32 $0xFFFFFFFF  }
0xac: {  	s26 =	simm.s32 $execute0_lowered;
	[smem:$0x3FD2] =	sst s25  }
0xad: {  	s8 =	sshll.u32 s26, $0x1;
	_ =	strace $0x80000046;
	[dreg:$0x1] =	wrdreg $0xFFFFFFFF  }
0xae: {  	s28 =	simm.s32 $_size_execute0_lowered;
	s6 =	sadd.s32 s6, s8;
	[dreg:$0x0] =	wrdreg $0x0  }
0xaf: {  	s8 =	sshll.u32 s28, $0x1;
	[dreg:$0x2] =	wrdreg s6  }
0xb0: {  	[dreg:$0x3] =	wrdreg s8  }
0xb1: {  	[dreg:$0x4] =	wrdreg $0xC0  }
0xb2: {  	_ =	task [dreg:s10], $0x5FFFF  }
0xb3: {  	[dreg:$0x1] =	wrdreg $0xFFFFFFFF  }
0xb4: {  	[dreg:$0x0] =	wrdreg $0x60  }
0xb5: {  	[dreg:$0x2] =	wrdreg s15  }
0xb6: {  	[dreg:$0x3] =	wrdreg s4  }
0xb7: {  	[dreg:$0x4] =	wrdreg s24  }
0xb8: {  	[dreg:$0x5] =	wrdreg s16  }
0xb9: {  	[dreg:$0x6] =	wrdreg s17  }
0xba: {  	[dreg:$0x7] =	wrdreg $0x9  }
0xbb: {  	_ =	task.clear_ibuf [dreg:s10], $0x8FFFF;
	_ =	strace $0x90000046  }
0xbc: {  	s29 =	simm.s32 $0x9;
	_ =	strace $0x80000048  }
0xbd: {  	_ =	swait.ge [sflag:s29], $0x1  }
0xbe: {  	[sflag:s29] =	ssyncadd.s32 $0xFFFFFFFF  }
0xbf: {  	_ =	strace $0x90000048  }
0xc0: {  	_ =	sfence  }
0xc1: {  	s30 =	sld [smem:$0x0];
	_ =	sdelay $0x2  }
0xc2: {  	s31 =	sshll.u32 s1, $0xD;
	s1 =	sshrl.u32 s1, $0x2  }
0xc3: {  	s3 =	sand.u32 $0x4000, s31;
	s1 =	sadd.s32 s1, s30  }
0xc4: {  	s0 =	sor.u32 s3, s0;
	s1 =	sshll.u32 s1, $0x11  }
0xc5: {  	s0 =	sor.u32 s1, s0  }
0xc6: {  	s0 =	sadd.s32 $0x8F2B, s0  }
0xc7: {  	[sflag:s0] =	ssyncadd.remote.s32 $0x1  }
0xc8: {  	_ =	sfence.sel $0xFFFF  }
0xc9: {  	[dreg:$0x0] =	wrdreg $0xFFFFFFFF;
	(pc) =	sbr.abs _section_cstart, $3  }
0xca: {  	[dreg:$0x1] =	wrdreg $0xFFFFFFFF  }
0xcb: {  	_ =	task.clear_ibuf [dreg:s10], $0x2FFFF;
	_ =	strace $0x9FFFFFFF  }
0xcc: {  	(tm) =	ssettm $0x7FFFFFFF  }
0xcd: {  	_ =	shalt  }
tec
execute0_lowered:
.L_overlay_start_1:
0x0: {  	(tag) =	ssettag $0x1  }
0x1: {  	s4 =	rddreg [dreg:$0x0]  }
0x2: {  	s5 =	rddreg [dreg:$0x1]  }
0x3: {  	v0 =	vimm.s32 $0x65432100;
	v1 =	vimm.s32 $0xEDCBA987;
	s3 =	rddreg [dreg:$0x2]  }
0x4: {  	s6 =	rddreg [dreg:$0x3];
	v2 =	vimm.s32 $0x54321000;
	v3 =	vimm.s32 $0xDCBA9876;
	v4 =	vimm.s32 $0xBA987654  }
0x5: {  	s7 =	rddreg [dreg:$0x4];
	v5 =	vimm.s32 $0x32100000;
	v6 =	vimm.s32 $0xE40000;
	v0 =	vunpack.c.l.s4.s8 v0  }
0x6: {  	s0 =	rddreg [dreg:$0x5];
	s1 =	simm.s32 $0x0;
	v1 =	vunpack.c.l.s4.s8 v1;
	v2 =	vunpack.c.l.s4.s8 v2;
	v3 =	vunpack.c.l.s4.s8 v3  }
0x7: {  	s2 =	srdreg.scid;
	s12 =	simm.s32 $0x2;
	s13 =	simm.s32 $0x580;
	v4 =	vunpack.c.l.s4.s8 v4;
	v5 =	vunpack.c.l.s4.s8 v5;
	v6 =	vunpack.c.l.s2.s4 v6  }
0x8: {  	s14 =	simm.s32 $0x600;
	s15 =	simm.s32 $0x680;
	s16 =	simm.s32 $0x880;
	v0 =	vunpack.c.0.s8.s32 v0;
	v1 =	vunpack.c.0.s8.s32 v1;
	v3 =	vunpack.c.0.s8.s32 v3  }
0x9: {  	s17 =	simm.s32 $0x3;
	s18 =	simm.s32 $0x0;
	[smem:$0x7FF] =	sst s1;
	v2 =	vunpack.c.0.s8.s32 v2;
	v4 =	vunpack.c.0.s8.s32 v4;
	v5 =	vunpack.c.0.s8.s32 v5  }
0xa: {  	s8 =	sand.u32 $0x1, s2;
	s2 =	stileid.u32;
	s3 =	sadd.s32 $0xE00, s3;
	v6 =	vunpack.c.l.s4.s8 v6;
	v1 =	vand.u32 $0xF, v1;
	v3 =	vand.u32 $0xF, v3  }
0xb: {  	s9 =	ssub.s32 $0x2, s8;
	s11 =	sshll.u32 s2, $0x7;
	s8 =	sshll.u32 s8, $0x6;
	v0 =	vcombine.low v0, v1;
	v1 =	vcombine.low v2, v3;
	v2 =	vand.u32 $0xF, v4  }
0xc: {  	_ =	strace $0x80000047;
	s10 =	sshrl.u32 s9, $0x1;
	s8 =	sor.u32 s8, s11;
	v4 =	vimm.s32 $0x7060504;
	v2 =	vcombine.low v5, v2;
	v5 =	vunpack.c.0.s8.s32 v6  }
0xd: {  	vm0 =	vmmov $0x3;
	vm1 =	vmmov $0xf;
	s11 =	simm.s32 $0x1;
	s9 =	ssub.s32 s9, s10;
	s4 =	sadd.s32 s4, s8;
	v4 =	vunpack.c.0.s8.s32 v4  }
0xe: {  	vm2 =	vcmask $0x3F30;
	s5 =	sadd.s32 s5, s8;
	s6 =	sadd.s32 s6, s8;
	s7 =	sadd.s32 s7, s8;
	v3 =	vlaneseq.u32;
	v5 =	vand.u32 $0x3, v5  }
0xf: {  	s10 =	simm.s32 $0x200;
	s8 =	smax.u32 s9, $0x1;
	s9 =	simm.s32 $0x400;
	v4 =	vsel vm2, v4, v5;
	vm2 =	vmmov $0xff;
	v5 =	vimm.s32 $0xF  }
.LBB2_1:
0x10: {  	[tilespmem:s9], [sflag:$0x1] =	stream.linear.gather [hbm4b:s3+s1], $0x180, $0x38;
	[tilespmem:$0xA80] =	vst v63  }
0x11: {  	_ = 	snop  }
0x12: {  	[tilespmem:s1], [sflag:$0x2] =	stream.linear.gather [hbm4b:s4+s1], $0x200, $0x38;
	[tilespmem:$0xA80] =	vst v63  }
0x13: {  	_ = 	snop  }
0x14: {  	[tilespmem:s10], [sflag:$0x2] =	stream.linear.gather [hbm4b:s5+s1], $0x200, $0x38;
	[tilespmem:$0xA80] =	vst v63  }
0x15: {  	_ =	swait.ge [sflag:s11], $0x180  }
0x16: {  	[sflag:s11] =	ssyncset.done $0x0  }
0x17: {  	[sflag:s11] =	ssyncadd.s32 $0xFFFFFE80  }
0x18: {  	v6 =	vld [tilespmem:$0x400];
	_ =	sdelay $0x4  }
0x19: {  	v6 =	vmul.f32 $1.442695020e+00, v6;
	_ =	sdelay $0x1  }
0x1a: {  	(erf) = vpow2.f32 v6;
	v6 =	vld [tilespmem:$0x410];
	_ =	sdelay $0x4  }
0x1b: {  	v7 =	vld [tilespmem:$0x4E0];
	v6 =	vmul.f32 $1.442695020e+00, v6;
	_ =	sdelay $0x1  }
0x1c: {  	v8 =	vld [tilespmem:$0x420]  }
0x1d: {  	(erf) = vpow2.f32 v6  }
0x1e: {  	v6 =	vpop (erf)  }
0x1f: {  	v9 =	vmul.f32 v6, v7;
	_ =	sdelay $0x1  }
0x20: {  	v7 =	vmul.f32 $1.442695020e+00, v8;
	v8 =	vperm.xlane v9, v0  }
0x21: {  	vm3 =	veq.s32 v3, $0x0;
	v10 =	vld [tilespmem:$0x4F0]  }
0x22: {  	(erf) = vpow2.f32 v7;
	v7 =	vsel vm3, $0x0, v8;
	_ =	sdelay $0x2  }
0x23: {  	v8 =	vadd.f32 v7, v9;
	v7 =	vpop (erf)  }
0x24: {  	v10 =	vmul.f32 v7, v10  }
0x25: {  	v11 =	vperm.xlane v8, v1  }
0x26: {  	v13 =	vperm.xlane v10, v0  }
0x27: {  	v12 =	vld [tilespmem:$0x500];
	v11 =	vsel vm0, $0x0, v11  }
0x28: {  	v14 =	vld [tilespmem:$0x430];
	v11 =	vadd.f32 v11, v8;
	v8 =	vsel vm3, $0x0, v13;
	_ =	sdelay $0x1  }
0x29: {  	v13 =	vld [tilespmem:$0x440];
	v16 =	vadd.f32 v8, v10  }
0x2a: {  	v15 =	vperm.xlane v11, v2;
	v8 =	vpop (erf)  }
0x2b: {  	v17 =	vperm.xlane v16, v1;
	v12 =	vmul.f32 v8, v12  }
0x2c: {  	v18 =	vld [tilespmem:$0x450];
	v14 =	vmul.f32 $1.442695020e+00, v14;
	v15 =	vsel vm1, $0x0, v15  }
0x2d: {  	v11 =	vadd.f32 v15, v11;
	v17 =	vsel vm0, $0x0, v17;
	v15 =	vperm.xlane v12, v0  }
0x2e: {  	(erf) = vpow2.f32 v14;
	v13 =	vmul.f32 $1.442695020e+00, v13;
	v14 =	vadd.f32 v17, v16  }
0x2f: {  	v16 =	vperm.xlane v11, v4;
	v15 =	vsel vm3, $0x0, v15  }
0x30: {  	(erf) = vpow2.f32 v13;
	v13 =	vld [tilespmem:$0x460];
	v17 =	vperm.xlane v14, v2;
	v15 =	vadd.f32 v15, v12  }
0x31: {  	v18 =	vmul.f32 $1.442695020e+00, v18;
	v16 =	vsel vm2, $0x0, v16  }
0x32: {  	v11 =	vadd.f32 v16, v11;
	v16 =	vsel vm1, $0x0, v17;
	v17 =	vperm.xlane v15, v1  }
0x33: {  	v19 =	vld [tilespmem:$0x510]  }
0x34: {  	v20 =	vld [tilespmem:$0x470];
	(erf) = vpow2.f32 v18;
	v14 =	vadd.f32 v16, v14;
	v16 =	vsel vm0, $0x0, v17  }
0x35: {  	v9 =	vsub.f32 v11, v9;
	v13 =	vmul.f32 $1.442695020e+00, v13;
	v17 =	vld [tilespmem:$0x520]  }
0x36: {  	v25 =	vld [tilespmem:$0x480];
	v18 =	vperm.xlane v14, v4;
	v15 =	vadd.f32 v16, v15  }
0x37: {  	v11 =	vperm.xlane v11, v5;
	v9 =	vadd.f32 $0.0e+00, v9;
	v16 =	vpop (erf);
	(erf) = vpow2.f32 v13  }
0x38: {  	v13 =	vsel vm2, $0x0, v18;
	v18 =	vperm.xlane v15, v2;
	v19 =	vmul.f32 v16, v19  }
0x39: {  	v20 =	vmul.f32 v20, v6;
	v11 =	vadd.f32 $0.0e+00, v11;
	v21 =	vpop (erf);
	v13 =	vadd.f32 v13, v14;
	v14 =	vld [tilespmem:$0x530]  }
0x3a: {  	v18 =	vsel vm1, $0x0, v18;
	v17 =	vmul.f32 v21, v17;
	v22 =	vperm.xlane v19, v0  }
0x3b: {  	v25 =	vmul.f32 v25, v7;
	v9 =	vsub.f32 v9, v20;
	v15 =	vadd.f32 v18, v15  }
0x3c: {  	v45 =	vld [tilespmem:$0x540];
	v10 =	vsub.f32 v13, v10;
	v44 =	vperm.xlane v17, v0;
	v18 =	vsel vm3, $0x0, v22  }
0x3d: {  	v27 =	vld [tilespmem:$0x490];
	v23 =	vpop (erf);
	v13 =	vperm.xlane v13, v5;
	v24 =	vperm.xlane v15, v4;
	v18 =	vadd.f32 v18, v19  }
0x3e: {  	v10 =	vadd.f32 v10, v11;
	v20 =	vsel vm3, $0x0, v44;
	v14 =	vmul.f32 v23, v14  }
0x3f: {  	v24 =	vsel vm2, $0x0, v24;
	v20 =	vadd.f32 v20, v17;
	v26 =	vperm.xlane v18, v1  }
0x40: {  	v11 =	vadd.f32 v13, v11;
	v13 =	vadd.f32 v24, v15;
	v15 =	vperm.xlane v14, v0;
	v46 =	vpop (erf)  }
0x41: {  	v28 =	vperm.xlane v20, v1;
	v26 =	vsel vm0, $0x0, v26;
	v22 =	vmul.f32 v46, v45  }
0x42: {  	v27 =	vmul.f32 v27, v8;
	v15 =	vsel vm3, $0x0, v15;
	v18 =	vadd.f32 v26, v18  }
0x43: {  	v47 =	vsel vm0, $0x0, v28;
	v15 =	vadd.f32 v15, v14;
	v48 =	vperm.xlane v22, v0  }
0x44: {  	v10 =	vsub.f32 v10, v25;
	v20 =	vadd.f32 v47, v20;
	v49 =	vperm.xlane v18, v2  }
0x45: {  	v12 =	vsub.f32 v13, v12;
	v29 =	vperm.xlane v15, v1;
	v28 =	vsel vm3, $0x0, v48  }
0x46: {  	v50 =	vperm.xlane v20, v2;
	v26 =	vsel vm1, $0x0, v49;
	v28 =	vadd.f32 v28, v22  }
0x47: {  	v12 =	vadd.f32 v12, v11;
	v29 =	vsel vm0, $0x0, v29;
	v18 =	vadd.f32 v26, v18  }
0x48: {  	v15 =	vadd.f32 v29, v15;
	v26 =	vsel vm1, $0x0, v50;
	v51 =	vperm.xlane v28, v1  }
0x49: {  	v13 =	vperm.xlane v13, v5;
	v20 =	vadd.f32 v26, v20;
	v52 =	vperm.xlane v18, v4  }
0x4a: {  	v12 =	vsub.f32 v12, v27;
	v53 =	vperm.xlane v15, v2;
	v25 =	vsel vm0, $0x0, v51  }
0x4b: {  	v54 =	vperm.xlane v20, v4;
	v27 =	vsel vm2, $0x0, v52;
	v25 =	vadd.f32 v25, v28  }
0x4c: {  	v11 =	vadd.f32 v13, v11;
	v26 =	vsel vm1, $0x0, v53;
	v18 =	vadd.f32 v27, v18  }
0x4d: {  	v15 =	vadd.f32 v26, v15;
	v27 =	vsel vm2, $0x0, v54;
	v55 =	vperm.xlane v25, v2  }
0x4e: {  	v13 =	vld [tilespmem:$0x4A0];
	v20 =	vadd.f32 v27, v20;
	v19 =	vsub.f32 v18, v19  }
0x4f: {  	v18 =	vperm.xlane v18, v5;
	v57 =	vperm.xlane v15, v4;
	v26 =	vsel vm1, $0x0, v55  }
0x50: {  	[tilespmem:$0x580] =	vst v6;
	v6 =	vadd.f32 v26, v25;
	v19 =	vadd.f32 v19, v11  }
0x51: {  	[tilespmem:$0x600] =	vst v9;
	v9 =	vadd.f32 v18, v11;
	v11 =	vsub.f32 v20, v17;
	v17 =	vsel vm2, $0x0, v57  }
0x52: {  	v56 =	vld [tilespmem:$0x4B0];
	[tilespmem:$0x590] =	vst v7;
	v7 =	vperm.xlane v20, v5;
	v15 =	vadd.f32 v17, v15;
	v18 =	vperm.xlane v6, v4  }
0x53: {  	[tilespmem:$0x610] =	vst v10;
	v10 =	vmul.f32 v13, v16;
	v17 =	vld [tilespmem:$0x4C0];
	v11 =	vadd.f32 v11, v9  }
0x54: {  	[tilespmem:$0x5A0] =	vst v8;
	v7 =	vadd.f32 v7, v9;
	v8 =	vsub.f32 v15, v14;
	v14 =	vld [tilespmem:$0x4D0];
	v9 =	vsel vm2, $0x0, v18  }
0x55: {  	[tilespmem:$0x620] =	vst v12;
	v12 =	vperm.xlane v15, v5;
	v6 =	vadd.f32 v9, v6  }
0x56: {  	[tilespmem:$0x5B0] =	vst v16;
	v10 =	vsub.f32 v19, v10;
	v8 =	vadd.f32 v8, v7  }
0x57: {  	[tilespmem:$0x5C0] =	vst v21;
	v13 =	vmul.f32 v56, v21;
	v7 =	vadd.f32 v12, v7;
	v6 =	vsub.f32 v6, v22  }
0x58: {  	[tilespmem:$0x630] =	vst v10;
	v10 =	vmul.f32 v17, v23  }
0x59: {  	[tilespmem:$0x5D0] =	vst v23;
	v9 =	vsub.f32 v11, v13;
	v6 =	vadd.f32 v6, v7;
	v7 =	vmul.f32 v14, v46  }
0x5a: {  	[tilespmem:$0x5E0] =	vst v46;
	v8 =	vsub.f32 v8, v10  }
0x5b: {  	[tilespmem:$0x640] =	vst v9;
	v6 =	vsub.f32 v6, v7  }
0x5c: {  	[tilespmem:$0x650] =	vst v8  }
0x5d: {  	[tilespmem:$0x660] =	vst v6  }
0x5e: {  	_ =	swait.ge [sflag:s12], $0x200  }
0x5f: {  	[sflag:s12] =	ssyncset.done $0x0  }
0x60: {  	[sflag:s12] =	ssyncadd.s32 $0xFFFFFE00  }
0x61: {  	_ =	swait.ge [sflag:s12], $0x200  }
0x62: {  	[sflag:s12] =	ssyncset.done $0x0  }
0x63: {  	s19 =	simm.s32 $0x220;
	[sflag:s12] =	ssyncadd.s32 $0xFFFFFE00  }
0x64: {  	v6 =	vld [tilespmem:s19+$0x10]  }
0x65: {  	v11 =	vld [tilespmem:s19+$0xFFFFFFE0]  }
0x66: {  	v10 =	vld [tilespmem:s19+$0x0]  }
0x67: {  	s30 =	simm.s32 $0x20;
	v9 =	vld [tilespmem:s19+$0xFFFFFFF0]  }
0x68: {  	v14 =	vld [tilespmem:s30+$0x10]  }
0x69: {  	v16 =	vld [tilespmem:s30+$0xFFFFFFE0]  }
0x6a: {  	s31 =	simm.s32 $0x260;
	v18 =	vld [tilespmem:s30+$0xFFFFFFF0]  }
0x6b: {  	v58 =	vld [tilespmem:s31+$0x10]  }
0x6c: {  	v7 =	vld.idx.msk [tilespmem:v6+s9+$0x0], $0xffff  }
0x6d: {  	v8 =	vld.idx.msk [tilespmem:v11+s9+$0x0], $0xffff  }
0x6e: {  	v13 =	vld.idx.msk [tilespmem:v10+s9+$0x0], $0xffff  }
0x6f: {  	v19 =	vld [tilespmem:s30+$0x0]  }
0x70: {  	s20 =	simm.s32 $0x6A0;
	v12 =	vld.idx.msk [tilespmem:v9+s9+$0x0], $0xffff  }
0x71: {  	[tilespmem:s20+$0x10] =	vst v7;
	v7 =	vld [tilespmem:s31+$0x0]  }
0x72: {  	[tilespmem:s20+$0xFFFFFFE0] =	vst v8;
	v8 =	vld [tilespmem:s31+$0xFFFFFFE0]  }
0x73: {  	[tilespmem:s20+$0x0] =	vst v13;
	v13 =	vld.idx.msk [tilespmem:v58+s9+$0x0], $0xffff  }
0x74: {  	v15 =	vld.idx.msk [tilespmem:v6+s13+$0x0], $0xffff  }
0x75: {  	v17 =	vld.idx.msk [tilespmem:v6+s14+$0x0], $0xffff  }
0x76: {  	v6 =	vld [tilespmem:s31+$0xFFFFFFF0]  }
0x77: {  	[tilespmem:s20+$0xFFFFFFF0] =	vst v12;
	v12 =	vld.idx.msk [tilespmem:v11+s13+$0x0], $0xffff  }
0x78: {  	v59 =	vld.idx.msk [tilespmem:v9+s13+$0x0], $0xffff  }
0x79: {  	v60 =	vld.idx.msk [tilespmem:v10+s13+$0x0], $0xffff  }
0x7a: {  	v11 =	vld.idx.msk [tilespmem:v11+s14+$0x0], $0xffff  }
0x7b: {  	s20 =	simm.s32 $0x60;
	v63 =	vld.idx.msk [tilespmem:v9+s14+$0x0], $0xffff  }
0x7c: {  	v16 =	vmul.f32 v12, v16;
	v12 =	vld [tilespmem:s20+$0x10]  }
0x7d: {  	v14 =	vmul.f32 v15, v14;
	v62 =	vld.idx.msk [tilespmem:v7+s9+$0x0], $0xffff  }
0x7e: {  	v15 =	vld.idx.msk [tilespmem:v8+s9+$0x0], $0xffff  }
0x7f: {  	s21 =	simm.s32 $0x6E0;
	v9 =	vadd.f32 v17, v14;
	v11 =	vadd.f32 v11, v16;
	v16 =	vld.idx.msk [tilespmem:v10+s14+$0x0], $0xffff  }
0x80: {  	s19 =	simm.s32 $0x8A0;
	[tilespmem:s21+$0x10] =	vst v13;
	v61 =	vld.idx.msk [tilespmem:v6+s9+$0x0], $0xffff  }
0x81: {  	v13 =	vld.idx.msk [tilespmem:v58+s13+$0x0], $0xffff;
	[tilespmem:s19+$0x10] =	vst v9  }
0x82: {  	v17 =	vmul.f32 v59, v18;
	v14 =	vld.idx.msk [tilespmem:v58+s14+$0x0], $0xffff;
	[tilespmem:s19+$0xFFFFFFE0] =	vst v11  }
0x83: {  	v18 =	vmul.f32 v60, v19;
	v9 =	vld [tilespmem:s20+$0xFFFFFFE0];
	[tilespmem:s21+$0xFFFFFFE0] =	vst v15  }
0x84: {  	v11 =	vld [tilespmem:s20+$0x0];
	v15 =	vadd.f32 v63, v17;
	[tilespmem:s21+$0x0] =	vst v62  }
0x85: {  	s22 =	simm.s32 $0x4;
	s23 =	simm.s32 $0x2A0;
	v10 =	vld [tilespmem:s20+$0xFFFFFFF0];
	v16 =	vadd.f32 v16, v18;
	[tilespmem:s21+$0xFFFFFFF0] =	vst v61  }
.LBB2_2:
0x86: {  	v17 =	vld [tilespmem:s23+$0x10];
	s22 =	sadd.s32 $0x4, s22;
	[tilespmem:s19+$0xFFFFFFF0] =	vst v15  }
0x87: {  	v12 =	vmul.f32 v13, v12;
	v15 =	vld [tilespmem:s23+$0xFFFFFFF0];
	p0 =	slt.u32 s22, $0x1C;
	[tilespmem:s19+$0x0] =	vst v16  }
0x88: {  	v13 =	vld [tilespmem:s23+$0x0]  }
0x89: {  	v12 =	vadd.f32 v14, v12;
	v16 =	vld [tilespmem:s23+$0xFFFFFFE0]  }
0x8a: {  	s19 =	sadd.s32 $0x40, s19;
	v14 =	vld.idx.msk [tilespmem:v8+s13+$0x0], $0xffff  }
0x8b: {  	v18 =	vld.idx.msk [tilespmem:v6+s13+$0x0], $0xffff;
	[tilespmem:s19+$0x10] =	vst v12  }
0x8c: {  	v12 =	vld.idx.msk [tilespmem:v7+s13+$0x0], $0xffff  }
0x8d: {  	v19 =	vld.idx.msk [tilespmem:v8+s14+$0x0], $0xffff  }
0x8e: {  	v20 =	vld.idx.msk [tilespmem:v17+s9+$0x0], $0xffff;
	v8 =	vmov v16  }
0x8f: {  	v21 =	vld.idx.msk [tilespmem:v15+s9+$0x0], $0xffff  }
0x90: {  	v9 =	vmul.f32 v14, v9;
	v22 =	vld.idx.msk [tilespmem:v13+s9+$0x0], $0xffff  }
0x91: {  	v14 =	vld.idx.msk [tilespmem:v16+s9+$0x0], $0xffff;
	v16 =	vmul.f32 v18, v10  }
0x92: {  	v23 =	vmul.f32 v12, v11;
	v18 =	vld.idx.msk [tilespmem:v6+s14+$0x0], $0xffff;
	v6 =	vmov v15  }
0x93: {  	s21 =	sadd.s32 $0x40, s21;
	s20 =	sadd.s32 $0x40, s20;
	v9 =	vadd.f32 v19, v9;
	v19 =	vld.idx.msk [tilespmem:v7+s14+$0x0], $0xffff;
	v7 =	vmov v13  }
0x94: {  	v12 =	vld [tilespmem:s20+$0x10];
	[tilespmem:s21+$0x10] =	vst v20  }
.Ltmp0:
0x95: {  	v13 =	vld.idx.msk [tilespmem:v17+s13+$0x0], $0xffff;
	[tilespmem:s19+$0xFFFFFFE0] =	vst v9;
	(pc) =	sbr.rel @p0 .LBB2_2-.Ltmp0, $4  }
0x96: {  	v9 =	vld [tilespmem:s20+$0xFFFFFFE0]  }
0x97: {  	[tilespmem:s21+$0xFFFFFFE0] =	vst v14;
	v14 =	vld.idx.msk [tilespmem:v17+s14+$0x0], $0xffff  }
0x98: {  	v15 =	vadd.f32 v18, v16;
	v10 =	vld [tilespmem:s20+$0xFFFFFFF0];
	[tilespmem:s21+$0xFFFFFFF0] =	vst v21  }
0x99: {  	s23 =	sadd.s32 $0x40, s23;
	v16 =	vadd.f32 v19, v23;
	v11 =	vld [tilespmem:s20+$0x0];
	[tilespmem:s21+$0x0] =	vst v22  }
0x9a: {  	_ =	sdelay $0x3  }
0x9b: {  	v17 =	vld.idx.msk [tilespmem:v8+s13+$0x0], $0xffff  }
0x9c: {  	v18 =	vld.idx.msk [tilespmem:v6+s13+$0x0], $0xffff  }
0x9d: {  	v19 =	vld.idx.msk [tilespmem:v7+s13+$0x0], $0xffff  }
0x9e: {  	v63 =	vld.idx.msk [tilespmem:v8+s14+$0x0], $0xffff  }
0x9f: {  	v6 =	vld.idx.msk [tilespmem:v6+s14+$0x0], $0xffff  }
0xa0: {  	v12 =	vmul.f32 v13, v12;
	v7 =	vld.idx.msk [tilespmem:v7+s14+$0x0], $0xffff  }
0xa1: {  	v9 =	vmul.f32 v17, v9  }
0xa2: {  	[tilespmem:s19+$0xFFFFFFF0] =	vst v15;
	v12 =	vadd.f32 v14, v12;
	v10 =	vmul.f32 v18, v10  }
0xa3: {  	s31 =	sadd.s32 $0x40, s19;
	[tilespmem:s19+$0x0] =	vst v16;
	v11 =	vmul.f32 v19, v11;
	v8 =	vadd.f32 v63, v9  }
0xa4: {  	[tilespmem:s31+$0x10] =	vst v12;
	v6 =	vadd.f32 v6, v10  }
0xa5: {  	v7 =	vadd.f32 v7, v11;
	[tilespmem:s31+$0xFFFFFFE0] =	vst v8  }
0xa6: {  	[tilespmem:s31+$0xFFFFFFF0] =	vst v6  }
0xa7: {  	[tilespmem:s31+$0x0] =	vst v7  }
0xa8: {  	[hbm4b:s6+s1] =	stream.linear.scatter [tilespmem:s15], [sflag:$0x3], $0x200, $0x38;
	[tilespmem:$0xA80] =	vst v63  }
0xa9: {  	s18 =	sadd.s32 $0x1, s18  }
0xaa: {  	[hbm4b:s7+s1] =	stream.linear.scatter [tilespmem:s16], [sflag:$0x3], $0x200, $0x38;
	[tilespmem:$0xA80] =	vst v63  }
0xab: {  	p0 =	sne.s32 s18, s8;
	_ =	swait.ge [sflag:s17], $0x200  }
.Ltmp1:
0xac: {  	[sflag:s17] =	ssyncset.done $0x0;
	(pc) =	sbr.rel @p0 .LBB2_1-.Ltmp1, $4  }
0xad: {  	[sflag:s17] =	ssyncadd.s32 $0xFFFFFE00  }
0xae: {  	_ =	swait.ge [sflag:s17], $0x200  }
0xaf: {  	[sflag:s17] =	ssyncset.done $0x0  }
0xb0: {  	[sflag:s17] =	ssyncadd.s32 $0xFFFFFE00  }
0xb1: {  	_ =	sfence.sel $0x180000  }
0xb2: {  	[bflag:$0x0] =	sbarrier.arrive $0xFFFF  }
0xb3: {  	p0 =	sne.s32 s2, $0x0;
	_ =	strace $0x90000047  }
0xb4: {  	s0 =	sadd.s32 @!p0 $0x100000, s0;
	[bflag:$0x2] =	sbarrier.arrive $0xFFFF  }
0xb5: {  	[sflag:s0] =	ssyncadd.tile.s32 @!p0 $0x1;
	_ =	shalt  }
.Lfunc_end2:
_tile_overlayer_lowered:
.L_overlay_start_2:
0xb6: {  	(tag) =	ssettag $0x2  }
0xb7: {  	s0 =	rddreg [dreg:$0x0];
	s2 =	stileid.u32  }
0xb8: {  	s1 =	rddreg [dreg:$0x1];
	p0 =	sne.s32 s2, $0x0  }
0xb9: {  	s3 =	rddreg [dreg:$0x2];
	[bflag:$0x3] =	sbarrier.arrive $0xFFFF;
	s2 =	simm.s32 @!p0 $0x1C04  }
0xba: {  	[timem:s3], [sflag:s2] =	dma.local @!p0 [hbm:s0], s1  }
0xbb: {  	s0 =	simm.s32 @!p0 $0x4  }
0xbc: {  	_ =	swait.ge @!p0 [sflag:s0], s1  }
0xbd: {  	s1 =	ssub.s32 @!p0 $0x0, s1;
	[sflag:s0] =	ssyncset.done @!p0 $0x0  }
0xbe: {  	[sflag:s0] =	ssyncadd.s32 @!p0 s1  }
0xbf: {  	[bflag:$0x3] =	sbarrier.arrive $0xFFFF  }
0xc0: {  	_ =	shalt  }

</sc_bundles>
